<compile_context>
chip_gen: v7x
topology: tpu7x:2x2x1
jax: 0.10.2.dev20260603
libtpu: 0.0.44.dev20260713+nightly
codegen_flags: <defaults>
</compile_context>

<pallas_src>
import jax
import jax.numpy as jnp
from jax import lax
from jax.experimental import pallas as pl
from jax.experimental.pallas import tpu as pltpu
from jax.experimental.pallas import tpu_sc as plsc

NC, NS_SC, L = 2, 16, 16
NW = NC * NS_SC
R = 512
SL = 128
PTW = 256
AL = 8
RPW = R // NW
RPS = R // NS_SC


def _dpl_body(ts_hbm, asp_hbm, pt_hbm,
              out_ts, out_a, out_pt, out_g,
              ts_blk, mask_blk, mask_sh, mask_all,
              myidx, g_vmem, asp_v, a_stage, ts_rows, pt_rows, sem, sem2):
    cid = lax.axis_index("c")
    sid = lax.axis_index("s")
    wid = cid * NS_SC + sid
    iota = lax.iota(jnp.int32, L)

    cpa = pltpu.async_copy(ts_hbm.at[pl.ds(sid * RPS, L)],
                           ts_blk.at[pl.ds(0, L)], sem)
    cpb = pltpu.async_copy(ts_hbm.at[pl.ds(sid * RPS + L, L)],
                           ts_blk.at[pl.ds(L, L)], sem)
    pltpu.sync_copy(asp_hbm, asp_v)
    zero = jnp.zeros((L,), jnp.int32)

    def mask_group(rows):
        def mask_step(k, a0):
            for d in range(4):
                col = jnp.full((L,), k * 4 + d, jnp.int32)
                a0 = a0 | plsc.load_gather(ts_blk, [rows, col])
            return a0
        return lax.fori_loop(0, SL // 4, mask_step, zero)

    cpa.wait()
    acc0 = mask_group(iota)
    cpb.wait()
    acc1 = mask_group(iota + L)
    mb0 = acc0 != 0
    mb1 = acc1 != 0
    mask_blk[pl.ds(0, L)] = mb0.astype(jnp.int32)
    mask_blk[pl.ds(L, L)] = mb1.astype(jnp.int32)
    cnt0 = plsc.all_reduce_population_count(mb0)
    cnt1 = plsc.all_reduce_population_count(mb1)
    mask_blk[pl.ds(2 * L, L)] = jnp.where(iota == 0, cnt0,
                                          jnp.where(iota == 1, cnt1, zero))
    pltpu.sync_copy(mask_blk, mask_sh.at[pl.ds(sid * 3 * L, 3 * L)])
    plsc.subcore_barrier()

    pltpu.sync_copy(mask_sh, mask_all)
    base = wid * RPW
    myidx[...] = zero

    cnt_even = plsc.load_gather(mask_all, [iota * (3 * L) + 2 * L])
    cnt_odd = plsc.load_gather(mask_all, [iota * (3 * L) + 2 * L + 1])
    carry0 = (jnp.sum(jnp.where(2 * iota < wid, cnt_even, zero))
              + jnp.sum(jnp.where(2 * iota + 1 < wid, cnt_odd, zero)))

    def scan_cond(state):
        k, carry = state
        return (k < R // L) & (carry < base + RPW)

    def scan_body(state):
        k, carry = state
        mbase = lax.shift_right_logical(k, 1) * (3 * L)
        m = plsc.load_gather(
            mask_all, [mbase + jnp.bitwise_and(k, 1) * L + iota])
        mb = m != 0
        pos = plsc.cumsum(m) + carry - 1
        sel = mb & (pos >= base) & (pos < base + RPW)
        plsc.store_scatter(myidx, [pos - base], iota + k * L, mask=sel)
        cntk = plsc.load_gather(
            mask_all,
            [jnp.full((L,), mbase + 2 * L + jnp.bitwise_and(k, 1), jnp.int32)])
        return (k + 1, carry + cntk[0])

    lax.while_loop(scan_cond, scan_body, (wid, carry0))

    idx_vec = myidx[...]
    g_vmem[...] = lax.shift_right_logical(idx_vec, 5)

    cp_ts = pltpu.async_copy(ts_hbm.at[myidx], ts_rows, sem)
    cp_pt = pltpu.async_copy(pt_hbm.at[myidx], pt_rows, sem)

    def asp_step(k, carry):
        p = iota + k * L
        r = lax.shift_right_logical(p, 3)
        c = jnp.bitwise_and(p, 7)
        gr = plsc.load_gather(g_vmem, [r])
        av = plsc.load_gather(asp_v, [gr, c])
        plsc.store_scatter(a_stage, [r, c], av)
        return carry

    lax.fori_loop(0, RPW * AL // L, asp_step, 0)

    o3 = pltpu.async_copy(a_stage, out_a.at[pl.ds(base, RPW)], sem2)
    o4 = pltpu.async_copy(g_vmem, out_g.at[pl.ds(base, RPW)], sem2)
    cp_ts.wait()
    o1 = pltpu.async_copy(ts_rows, out_ts.at[pl.ds(base, RPW)], sem2)
    cp_pt.wait()
    o2 = pltpu.async_copy(pt_rows, out_pt.at[pl.ds(base, RPW)], sem2)
    o1.wait()
    o2.wait()
    o3.wait()
    o4.wait()


@jax.jit
def _dpl_call(ts2, asp, pt2):
    f = pl.kernel(
        _dpl_body,
        out_type=(
            jax.ShapeDtypeStruct((R, SL), jnp.int32),
            jax.ShapeDtypeStruct((R, AL), jnp.int32),
            jax.ShapeDtypeStruct((R, PTW), jnp.float32),
            jax.ShapeDtypeStruct((R,), jnp.int32),
        ),
        mesh=plsc.VectorSubcoreMesh(core_axis_name="c", subcore_axis_name="s"),
        compiler_params=pltpu.CompilerParams(needs_layout_passes=False),
        scratch_types=[
            pltpu.VMEM((RPS, SL), jnp.int32),
            pltpu.VMEM((3 * L,), jnp.int32),
            pltpu.VMEM_SHARED((NS_SC * 3 * L,), jnp.int32),
            pltpu.VMEM((NS_SC * 3 * L,), jnp.int32),
            pltpu.VMEM((RPW,), jnp.int32),
            pltpu.VMEM((RPW,), jnp.int32),
            pltpu.VMEM((16, AL), jnp.int32),
            pltpu.VMEM((RPW, AL), jnp.int32),
            pltpu.VMEM((RPW, SL), jnp.int32),
            pltpu.VMEM((RPW, PTW), jnp.float32),
            pltpu.SemaphoreType.DMA,
            pltpu.SemaphoreType.DMA,
        ],
    )
    return f(ts2, asp, pt2)


def kernel(text_slices, aspect_tokens, pos_tuple):
    b, ns, sl = text_slices.shape
    ts2 = text_slices.reshape(b * ns, sl).astype(jnp.int32)
    pt2 = pos_tuple.reshape(b * ns, sl * 2)
    asp = aspect_tokens.astype(jnp.int32)
    ts_sel, a_sel, pt_sel, g_sel = _dpl_call(ts2, asp, pt2)
    return (ts_sel, a_sel, pt_sel.reshape(b * ns, sl, 2), g_sel)

# --- scband reference (transcript-rebuilt; emitter-appended) ---
"""Pipeline reference for scband-position-dpllayer-19791209300324 (READ-ONLY COPY).

The authoritative reference and input builder live on the scoring server;
editing this copy changes nothing except your own understanding.
"""

import jax, jax.numpy as jnp
import numpy as np

B, NS, SL, AL, VOCAB = 16, 32, 128, 8, 30000

def setup_inputs(seed: int = 0) -> dict:
    key = jax.random.key(seed)
    k1, k2, k3 = jax.random.split(key, 3)
    text_slices = jax.random.randint(k1, (B, NS, SL), 0, VOCAB, dtype=jnp.int32)
    aspect_tokens = jax.random.randint(k2, (B, AL), 0, VOCAB, dtype=jnp.int32)
    pos_tuple = jax.random.normal(k3, (B, NS, SL, 2), dtype=jnp.float32)
    return {"text_slices": text_slices, "aspect_tokens": aspect_tokens, "pos_tuple": pos_tuple}

def reference(text_slices, aspect_tokens, pos_tuple):
    # PositionDPLLayer.forward with dpl_mode='encoder', trans_method='filter'.
    # encoder_mode is abstract in the source; faithful data-plumbing is reproduced and
    # the filtered (text, aspect, pos) triple stands in for its result.
    true_batch_size = text_slices.shape[0]
    x_shape = text_slices.shape
    ts = text_slices.reshape(true_batch_size * x_shape[1], x_shape[2]).astype(jnp.int32)
    pt = pos_tuple.reshape(true_batch_size * x_shape[1], pos_tuple.shape[2], pos_tuple.shape[3])
    x_len = jnp.sum(ts != 0, axis=-1)
    group = jnp.repeat(jnp.arange(true_batch_size, dtype=jnp.int32), x_shape[1])
    aspect_size = aspect_tokens.shape
    a = jnp.broadcast_to(aspect_tokens[:, None, :], (true_batch_size, x_shape[1], aspect_size[1]))
    a = a.reshape(true_batch_size * x_shape[1], aspect_size[1])
    mask = x_len != 0
    idx = jnp.nonzero(mask, size=ts.shape[0], fill_value=0)[0]
    ts_sel = jnp.take(ts, idx, axis=0)
    pt_sel = jnp.take(pt, idx, axis=0)
    a_sel = jnp.take(a, idx, axis=0)
    g_sel = jnp.take(group, idx, axis=0)
    result_vector = (ts_sel, a_sel, pt_sel)
    return (ts_sel, a_sel, pt_sel, g_sel)

if __name__ == "__main__":
    import jax
    _d = setup_inputs()
    print(jax.jit(kernel)(*tuple(_d.values())))

</pallas_src>

<mosaic_0001>
#map = affine_map<(d0, d1) -> (0, 0)>
#map1 = affine_map<(d0, d1) -> (0)>
module attributes {stable_mosaic.version = 14 : i64} {
  func.func @_dpl_body(%arg0: i32, %arg1: i32, %arg2: memref<512x128xi32, #tpu.memory_space<hbm>>, %arg3: memref<16x8xi32, #tpu.memory_space<hbm>>, %arg4: memref<512x256xf32, #tpu.memory_space<hbm>>, %arg5: memref<512x128xi32, #tpu.memory_space<hbm>>, %arg6: memref<512x8xi32, #tpu.memory_space<hbm>>, %arg7: memref<512x256xf32, #tpu.memory_space<hbm>>, %arg8: memref<512xi32, #tpu.memory_space<hbm>>, %arg9: memref<32x128xi32, #tpu.memory_space<vmem>>, %arg10: memref<48xi32, #tpu.memory_space<vmem>>, %arg11: memref<768xi32, #tpu.memory_space<vmem_shared>>, %arg12: memref<768xi32, #tpu.memory_space<vmem>>, %arg13: memref<16xi32, #tpu.memory_space<vmem>>, %arg14: memref<16xi32, #tpu.memory_space<vmem>>, %arg15: memref<16x8xi32, #tpu.memory_space<vmem>>, %arg16: memref<16x8xi32, #tpu.memory_space<vmem>>, %arg17: memref<16x128xi32, #tpu.memory_space<vmem>>, %arg18: memref<16x256xf32, #tpu.memory_space<vmem>>, %arg19: memref<!tpu.dma_semaphore, #tpu.memory_space<semaphore_mem>>, %arg20: memref<!tpu.dma_semaphore, #tpu.memory_space<semaphore_mem>>) attributes {dimension_semantics = [#tpu.dimension_semantics<core_parallel>, #tpu.dimension_semantics<subcore_parallel>], iteration_bounds = array<i64: 2, 16>, scalar_prefetch = 0 : i64, scratch_operands = 12 : i64, tpu.core_type = #tpu.core_type<sc_vector_subcore>, window_params = [{transform_indices = #map}, {transform_indices = #map}, {transform_indices = #map}, {transform_indices = #map}, {transform_indices = #map}, {transform_indices = #map}, {transform_indices = #map1}]} {
    %mul3A = arith.constant 16 : i32
    %mul3A_0 = arith.muli %arg0, %mul3A : i32
    %add3A = arith.addi %mul3A_0, %arg1 : i32
    %iota3A = tpu.iota {dimensions = array<i32: 0>} : vector<16xi32>
    %mul3A_1 = arith.constant 32 : i32
    %mul3A_2 = arith.muli %arg1, %mul3A_1 : i32
    %dma_start3A = arith.constant 0 : i32
    %dma_start3A_3 = arith.constant 0 : i32
    %dma_start3A_4 = tpu.memref_slice %arg9[%dma_start3A, %dma_start3A_3] : memref<32x128xi32, #tpu.memory_space<vmem>> -> memref<16x128xi32, #tpu.memory_space<vmem>>
    %dma_start3A_5 = arith.constant 0 : i32
    %dma_start3A_6 = tpu.memref_slice %arg2[%mul3A_2, %dma_start3A_5] : memref<512x128xi32, #tpu.memory_space<hbm>> -> memref<16x128xi32, #tpu.memory_space<hbm>>
    %dma_start3A_7 = arith.constant 0 : i32
    %dma_start3A_8 = arith.constant 0 : i32
    %dma_start3A_9 = tpu.memref_slice %arg9[%dma_start3A_7, %dma_start3A_8] : memref<32x128xi32, #tpu.memory_space<vmem>> -> memref<16x128xi32, #tpu.memory_space<vmem>>
    %dma_start3A_10 = arith.constant 0 : i32
    %dma_start3A_11 = tpu.memref_slice %arg2[%mul3A_2, %dma_start3A_10] : memref<512x128xi32, #tpu.memory_space<hbm>> -> memref<16x128xi32, #tpu.memory_space<hbm>>
    tpu.enqueue_dma source(%dma_start3A_11 : memref<16x128xi32, #tpu.memory_space<hbm>>) target(%dma_start3A_9 : memref<16x128xi32, #tpu.memory_space<vmem>>) target_semaphore(%arg19 : memref<!tpu.dma_semaphore, #tpu.memory_space<semaphore_mem>>)
    %mul3A_12 = arith.constant 32 : i32
    %mul3A_13 = arith.muli %arg1, %mul3A_12 : i32
    %add3A_14 = arith.constant 16 : i32
    %add3A_15 = arith.addi %mul3A_13, %add3A_14 : i32
    %dma_start3A_16 = arith.constant 16 : i32
    %dma_start3A_17 = arith.constant 0 : i32
    %dma_start3A_18 = tpu.memref_slice %arg9[%dma_start3A_16, %dma_start3A_17] : memref<32x128xi32, #tpu.memory_space<vmem>> -> memref<16x128xi32, #tpu.memory_space<vmem>>
    %dma_start3A_19 = arith.constant 0 : i32
    %dma_start3A_20 = tpu.memref_slice %arg2[%add3A_15, %dma_start3A_19] : memref<512x128xi32, #tpu.memory_space<hbm>> -> memref<16x128xi32, #tpu.memory_space<hbm>>
    %dma_start3A_21 = arith.constant 16 : i32
    %dma_start3A_22 = arith.constant 0 : i32
    %dma_start3A_23 = tpu.memref_slice %arg9[%dma_start3A_21, %dma_start3A_22] : memref<32x128xi32, #tpu.memory_space<vmem>> -> memref<16x128xi32, #tpu.memory_space<vmem>>
    %dma_start3A_24 = arith.constant 0 : i32
    %dma_start3A_25 = tpu.memref_slice %arg2[%add3A_15, %dma_start3A_24] : memref<512x128xi32, #tpu.memory_space<hbm>> -> memref<16x128xi32, #tpu.memory_space<hbm>>
    tpu.enqueue_dma source(%dma_start3A_25 : memref<16x128xi32, #tpu.memory_space<hbm>>) target(%dma_start3A_23 : memref<16x128xi32, #tpu.memory_space<vmem>>) target_semaphore(%arg19 : memref<!tpu.dma_semaphore, #tpu.memory_space<semaphore_mem>>)
    "tpu.region"() ({
      %run_scoped3A = tpu.sem_alloc : memref<!tpu.dma_semaphore, #tpu.memory_space<semaphore_mem>>
      tpu.enqueue_dma source(%arg3 : memref<16x8xi32, #tpu.memory_space<hbm>>) target(%arg15 : memref<16x8xi32, #tpu.memory_space<vmem>>) target_semaphore(%run_scoped3A : memref<!tpu.dma_semaphore, #tpu.memory_space<semaphore_mem>>)
      tpu.wait_dma2 semaphore(%run_scoped3A : memref<!tpu.dma_semaphore, #tpu.memory_space<semaphore_mem>>) src(%arg3 : memref<16x8xi32, #tpu.memory_space<hbm>>) dst(%arg15 : memref<16x8xi32, #tpu.memory_space<vmem>>)
      tpu.yield
    }) : () -> ()
    %broadcast_in_dim3A = arith.constant 0 : i32
    %broadcast_in_dim3A_26 = vector.broadcast %broadcast_in_dim3A : i32 to vector<16xi32>
    %dma_wait3A = arith.constant 0 : i32
    %dma_wait3A_27 = arith.constant 0 : i32
    %dma_wait3A_28 = tpu.memref_slice %arg9[%dma_wait3A, %dma_wait3A_27] : memref<32x128xi32, #tpu.memory_space<vmem>> -> memref<16x128xi32, #tpu.memory_space<vmem>>
    %dma_wait3A_29 = arith.constant 0 : i32
    %dma_wait3A_30 = tpu.memref_slice %arg2[%mul3A_2, %dma_wait3A_29] : memref<512x128xi32, #tpu.memory_space<hbm>> -> memref<16x128xi32, #tpu.memory_space<hbm>>
    %dma_wait3A_31 = arith.constant 0 : i32
    %dma_wait3A_32 = arith.constant 0 : i32
    %dma_wait3A_33 = tpu.memref_slice %arg9[%dma_wait3A_31, %dma_wait3A_32] : memref<32x128xi32, #tpu.memory_space<vmem>> -> memref<16x128xi32, #tpu.memory_space<vmem>>
    %dma_wait3A_34 = arith.constant 0 : i32
    %dma_wait3A_35 = tpu.memref_slice %arg2[%mul3A_2, %dma_wait3A_34] : memref<512x128xi32, #tpu.memory_space<hbm>> -> memref<16x128xi32, #tpu.memory_space<hbm>>
    tpu.wait_dma2 semaphore(%arg19 : memref<!tpu.dma_semaphore, #tpu.memory_space<semaphore_mem>>) src(%dma_wait3A_35 : memref<16x128xi32, #tpu.memory_space<hbm>>) dst(%dma_wait3A_33 : memref<16x128xi32, #tpu.memory_space<vmem>>)
    %scan3A = arith.constant 0 : i32
    %scan3A_36 = arith.constant 32 : i32
    %scan3A_37 = arith.addi %scan3A, %scan3A_36 : i32
    %scan3A_38 = arith.constant 1 : i32
    %scan3A_39 = scf.for %scan3A_175 = %scan3A to %scan3A_37 step %scan3A_38 iter_args(%scan3A_176 = %broadcast_in_dim3A_26) -> (vector<16xi32>)  : i32 {
      %mul3A_177 = arith.constant 4 : i32
      %mul3A_178 = arith.muli %scan3A_175, %mul3A_177 : i32
      %add3A_179 = arith.constant 0 : i32
      %add3A_180 = arith.addi %mul3A_178, %add3A_179 : i32
      %broadcast_in_dim3A_181 = vector.broadcast %add3A_180 : i32 to vector<16xi32>
      %gather3A_182 = tpu.vector_load_idx %arg9[%iota3A, %broadcast_in_dim3A_181] : memref<32x128xi32, #tpu.memory_space<vmem>>[vector<16xi32>, vector<16xi32>], vector<16xi32>,
      %or3A = arith.ori %scan3A_176, %gather3A_182 : vector<16xi32>
      %mul3A_183 = arith.constant 4 : i32
      %mul3A_184 = arith.muli %scan3A_175, %mul3A_183 : i32
      %add3A_185 = arith.constant 1 : i32
      %add3A_186 = arith.addi %mul3A_184, %add3A_185 : i32
      %broadcast_in_dim3A_187 = vector.broadcast %add3A_186 : i32 to vector<16xi32>
      %gather3A_188 = tpu.vector_load_idx %arg9[%iota3A, %broadcast_in_dim3A_187] : memref<32x128xi32, #tpu.memory_space<vmem>>[vector<16xi32>, vector<16xi32>], vector<16xi32>,
      %or3A_189 = arith.ori %or3A, %gather3A_188 : vector<16xi32>
      %mul3A_190 = arith.constant 4 : i32
      %mul3A_191 = arith.muli %scan3A_175, %mul3A_190 : i32
      %add3A_192 = arith.constant 2 : i32
      %add3A_193 = arith.addi %mul3A_191, %add3A_192 : i32
      %broadcast_in_dim3A_194 = vector.broadcast %add3A_193 : i32 to vector<16xi32>
      %gather3A_195 = tpu.vector_load_idx %arg9[%iota3A, %broadcast_in_dim3A_194] : memref<32x128xi32, #tpu.memory_space<vmem>>[vector<16xi32>, vector<16xi32>], vector<16xi32>,
      %or3A_196 = arith.ori %or3A_189, %gather3A_195 : vector<16xi32>
      %mul3A_197 = arith.constant 4 : i32
      %mul3A_198 = arith.muli %scan3A_175, %mul3A_197 : i32
      %add3A_199 = arith.constant 3 : i32
      %add3A_200 = arith.addi %mul3A_198, %add3A_199 : i32
      %broadcast_in_dim3A_201 = vector.broadcast %add3A_200 : i32 to vector<16xi32>
      %gather3A_202 = tpu.vector_load_idx %arg9[%iota3A, %broadcast_in_dim3A_201] : memref<32x128xi32, #tpu.memory_space<vmem>>[vector<16xi32>, vector<16xi32>], vector<16xi32>,
      %or3A_203 = arith.ori %or3A_196, %gather3A_202 : vector<16xi32>
      scf.yield %or3A_203 : vector<16xi32>
    }
    %scan3A_40 = arith.constant 32 : i32
    %dma_wait3A_41 = arith.constant 16 : i32
    %dma_wait3A_42 = arith.constant 0 : i32
    %dma_wait3A_43 = tpu.memref_slice %arg9[%dma_wait3A_41, %dma_wait3A_42] : memref<32x128xi32, #tpu.memory_space<vmem>> -> memref<16x128xi32, #tpu.memory_space<vmem>>
    %dma_wait3A_44 = arith.constant 0 : i32
    %dma_wait3A_45 = tpu.memref_slice %arg2[%add3A_15, %dma_wait3A_44] : memref<512x128xi32, #tpu.memory_space<hbm>> -> memref<16x128xi32, #tpu.memory_space<hbm>>
    %dma_wait3A_46 = arith.constant 16 : i32
    %dma_wait3A_47 = arith.constant 0 : i32
    %dma_wait3A_48 = tpu.memref_slice %arg9[%dma_wait3A_46, %dma_wait3A_47] : memref<32x128xi32, #tpu.memory_space<vmem>> -> memref<16x128xi32, #tpu.memory_space<vmem>>
    %dma_wait3A_49 = arith.constant 0 : i32
    %dma_wait3A_50 = tpu.memref_slice %arg2[%add3A_15, %dma_wait3A_49] : memref<512x128xi32, #tpu.memory_space<hbm>> -> memref<16x128xi32, #tpu.memory_space<hbm>>
    tpu.wait_dma2 semaphore(%arg19 : memref<!tpu.dma_semaphore, #tpu.memory_space<semaphore_mem>>) src(%dma_wait3A_50 : memref<16x128xi32, #tpu.memory_space<hbm>>) dst(%dma_wait3A_48 : memref<16x128xi32, #tpu.memory_space<vmem>>)
    %add3A_51 = arith.constant 16 : i32
    %add3A_52 = vector.broadcast %add3A_51 : i32 to vector<16xi32>
    %add3A_53 = arith.addi %iota3A, %add3A_52 : vector<16xi32>
    %scan3A_54 = arith.constant 0 : i32
    %scan3A_55 = arith.constant 32 : i32
    %scan3A_56 = arith.addi %scan3A_54, %scan3A_55 : i32
    %scan3A_57 = arith.constant 1 : i32
    %scan3A_58 = scf.for %scan3A_175 = %scan3A_54 to %scan3A_56 step %scan3A_57 iter_args(%scan3A_176 = %broadcast_in_dim3A_26) -> (vector<16xi32>)  : i32 {
      %mul3A_177 = arith.constant 4 : i32
      %mul3A_178 = arith.muli %scan3A_175, %mul3A_177 : i32
      %add3A_179 = arith.constant 0 : i32
      %add3A_180 = arith.addi %mul3A_178, %add3A_179 : i32
      %broadcast_in_dim3A_181 = vector.broadcast %add3A_180 : i32 to vector<16xi32>
      %gather3A_182 = tpu.vector_load_idx %arg9[%add3A_53, %broadcast_in_dim3A_181] : memref<32x128xi32, #tpu.memory_space<vmem>>[vector<16xi32>, vector<16xi32>], vector<16xi32>,
      %or3A = arith.ori %scan3A_176, %gather3A_182 : vector<16xi32>
      %mul3A_183 = arith.constant 4 : i32
      %mul3A_184 = arith.muli %scan3A_175, %mul3A_183 : i32
      %add3A_185 = arith.constant 1 : i32
      %add3A_186 = arith.addi %mul3A_184, %add3A_185 : i32
      %broadcast_in_dim3A_187 = vector.broadcast %add3A_186 : i32 to vector<16xi32>
      %gather3A_188 = tpu.vector_load_idx %arg9[%add3A_53, %broadcast_in_dim3A_187] : memref<32x128xi32, #tpu.memory_space<vmem>>[vector<16xi32>, vector<16xi32>], vector<16xi32>,
      %or3A_189 = arith.ori %or3A, %gather3A_188 : vector<16xi32>
      %mul3A_190 = arith.constant 4 : i32
      %mul3A_191 = arith.muli %scan3A_175, %mul3A_190 : i32
      %add3A_192 = arith.constant 2 : i32
      %add3A_193 = arith.addi %mul3A_191, %add3A_192 : i32
      %broadcast_in_dim3A_194 = vector.broadcast %add3A_193 : i32 to vector<16xi32>
      %gather3A_195 = tpu.vector_load_idx %arg9[%add3A_53, %broadcast_in_dim3A_194] : memref<32x128xi32, #tpu.memory_space<vmem>>[vector<16xi32>, vector<16xi32>], vector<16xi32>,
      %or3A_196 = arith.ori %or3A_189, %gather3A_195 : vector<16xi32>
      %mul3A_197 = arith.constant 4 : i32
      %mul3A_198 = arith.muli %scan3A_175, %mul3A_197 : i32
      %add3A_199 = arith.constant 3 : i32
      %add3A_200 = arith.addi %mul3A_198, %add3A_199 : i32
      %broadcast_in_dim3A_201 = vector.broadcast %add3A_200 : i32 to vector<16xi32>
      %gather3A_202 = tpu.vector_load_idx %arg9[%add3A_53, %broadcast_in_dim3A_201] : memref<32x128xi32, #tpu.memory_space<vmem>>[vector<16xi32>, vector<16xi32>], vector<16xi32>,
      %or3A_203 = arith.ori %or3A_196, %gather3A_202 : vector<16xi32>
      scf.yield %or3A_203 : vector<16xi32>
    }
    %scan3A_59 = arith.constant 32 : i32
    %ne3A = arith.constant 0 : i32
    %ne3A_60 = vector.broadcast %ne3A : i32 to vector<16xi32>
    %ne3A_61 = arith.cmpi ne, %scan3A_39, %ne3A_60 : vector<16xi32>
    %ne3A_62 = arith.constant 0 : i32
    %ne3A_63 = vector.broadcast %ne3A_62 : i32 to vector<16xi32>
    %ne3A_64 = arith.cmpi ne, %scan3A_58, %ne3A_63 : vector<16xi32>
    %convert_element_type3A = arith.extui %ne3A_61 : vector<16xi1> to vector<16xi32>
    %swap3A = arith.constant 0 : index
    %swap3A_65 = tpu.vector_load %arg10[%swap3A] {strides = array<i32>} : memref<48xi32, #tpu.memory_space<vmem>>, vector<16xi32>,
    tpu.vector_store %arg10[%swap3A], %convert_element_type3A {strides = array<i32>} : memref<48xi32, #tpu.memory_space<vmem>>, vector<16xi32>,
    %convert_element_type3A_66 = arith.extui %ne3A_64 : vector<16xi1> to vector<16xi32>
    %swap3A_67 = arith.constant 16 : index
    %swap3A_68 = tpu.vector_load %arg10[%swap3A_67] {strides = array<i32>} : memref<48xi32, #tpu.memory_space<vmem>>, vector<16xi32>,
    tpu.vector_store %arg10[%swap3A_67], %convert_element_type3A_66 {strides = array<i32>} : memref<48xi32, #tpu.memory_space<vmem>>, vector<16xi32>,
    %all_reduce_population_count3A = tpu.all_reduce %ne3A_61 {dim = 0 : i64, kind = #tpu.reduction_kind<sum>} : vector<16xi1> -> vector<16xi32>
    %all_reduce_population_count3A_69 = tpu.all_reduce %ne3A_64 {dim = 0 : i64, kind = #tpu.reduction_kind<sum>} : vector<16xi1> -> vector<16xi32>
    %eq3A = arith.constant 0 : i32
    %eq3A_70 = vector.broadcast %eq3A : i32 to vector<16xi32>
    %eq3A_71 = arith.cmpi eq, %iota3A, %eq3A_70 : vector<16xi32>
    %eq3A_72 = arith.constant 1 : i32
    %eq3A_73 = vector.broadcast %eq3A_72 : i32 to vector<16xi32>
    %eq3A_74 = arith.cmpi eq, %iota3A, %eq3A_73 : vector<16xi32>
    %select_n3A = arith.select %eq3A_74, %all_reduce_population_count3A_69, %broadcast_in_dim3A_26 : vector<16xi1>, vector<16xi32>
    %select_n3A_75 = arith.select %eq3A_71, %all_reduce_population_count3A, %select_n3A : vector<16xi1>, vector<16xi32>
    %swap3A_76 = arith.constant 32 : index
    %swap3A_77 = tpu.vector_load %arg10[%swap3A_76] {strides = array<i32>} : memref<48xi32, #tpu.memory_space<vmem>>, vector<16xi32>,
    tpu.vector_store %arg10[%swap3A_76], %select_n3A_75 {strides = array<i32>} : memref<48xi32, #tpu.memory_space<vmem>>, vector<16xi32>,
    %mul3A_78 = arith.constant 3 : i32
    %mul3A_79 = arith.muli %arg1, %mul3A_78 : i32
    %mul3A_80 = arith.constant 16 : i32
    %mul3A_81 = arith.muli %mul3A_79, %mul3A_80 : i32
    "tpu.region"() ({
      %run_scoped3A = tpu.sem_alloc : memref<!tpu.dma_semaphore, #tpu.memory_space<semaphore_mem>>
      %dma_start3A_175 = tpu.memref_slice %arg11[%mul3A_81] : memref<768xi32, #tpu.memory_space<vmem_shared>> -> memref<48xi32, #tpu.memory_space<vmem_shared>>
      %dma_start3A_176 = tpu.memref_slice %arg11[%mul3A_81] : memref<768xi32, #tpu.memory_space<vmem_shared>> -> memref<48xi32, #tpu.memory_space<vmem_shared>>
      tpu.enqueue_dma source(%arg10 : memref<48xi32, #tpu.memory_space<vmem>>) target(%dma_start3A_176 : memref<48xi32, #tpu.memory_space<vmem_shared>>) target_semaphore(%run_scoped3A : memref<!tpu.dma_semaphore, #tpu.memory_space<semaphore_mem>>)
      %dma_wait3A_177 = tpu.memref_slice %arg11[%mul3A_81] : memref<768xi32, #tpu.memory_space<vmem_shared>> -> memref<48xi32, #tpu.memory_space<vmem_shared>>
      %dma_wait3A_178 = tpu.memref_slice %arg11[%mul3A_81] : memref<768xi32, #tpu.memory_space<vmem_shared>> -> memref<48xi32, #tpu.memory_space<vmem_shared>>
      tpu.wait_dma2 semaphore(%run_scoped3A : memref<!tpu.dma_semaphore, #tpu.memory_space<semaphore_mem>>) src(%arg10 : memref<48xi32, #tpu.memory_space<vmem>>) dst(%dma_wait3A_178 : memref<48xi32, #tpu.memory_space<vmem_shared>>)
      tpu.yield
    }) : () -> ()
    %barrier3A = arith.constant 0 : index
    tpu.barrier barrier_id(%barrier3A)
    "tpu.region"() ({
      %run_scoped3A = tpu.sem_alloc : memref<!tpu.dma_semaphore, #tpu.memory_space<semaphore_mem>>
      tpu.enqueue_dma source(%arg11 : memref<768xi32, #tpu.memory_space<vmem_shared>>) target(%arg12 : memref<768xi32, #tpu.memory_space<vmem>>) target_semaphore(%run_scoped3A : memref<!tpu.dma_semaphore, #tpu.memory_space<semaphore_mem>>)
      tpu.wait_dma2 semaphore(%run_scoped3A : memref<!tpu.dma_semaphore, #tpu.memory_space<semaphore_mem>>) src(%arg11 : memref<768xi32, #tpu.memory_space<vmem_shared>>) dst(%arg12 : memref<768xi32, #tpu.memory_space<vmem>>)
      tpu.yield
    }) : () -> ()
    %mul3A_82 = arith.constant 16 : i32
    %mul3A_83 = arith.muli %add3A, %mul3A_82 : i32
    %swap3A_84 = arith.constant 0 : index
    %swap3A_85 = tpu.vector_load %arg13[%swap3A_84] {strides = array<i32>} : memref<16xi32, #tpu.memory_space<vmem>>, vector<16xi32>,
    tpu.vector_store %arg13[%swap3A_84], %broadcast_in_dim3A_26 {strides = array<i32>} : memref<16xi32, #tpu.memory_space<vmem>>, vector<16xi32>,
    %mul3A_86 = arith.constant 48 : i32
    %mul3A_87 = vector.broadcast %mul3A_86 : i32 to vector<16xi32>
    %mul3A_88 = arith.muli %iota3A, %mul3A_87 : vector<16xi32>
    %add3A_89 = arith.constant 32 : i32
    %add3A_90 = vector.broadcast %add3A_89 : i32 to vector<16xi32>
    %add3A_91 = arith.addi %mul3A_88, %add3A_90 : vector<16xi32>
    %gather3A = tpu.vector_load_idx %arg12[%add3A_91] : memref<768xi32, #tpu.memory_space<vmem>>[vector<16xi32>], vector<16xi32>,
    %mul3A_92 = arith.constant 48 : i32
    %mul3A_93 = vector.broadcast %mul3A_92 : i32 to vector<16xi32>
    %mul3A_94 = arith.muli %iota3A, %mul3A_93 : vector<16xi32>
    %add3A_95 = arith.constant 32 : i32
    %add3A_96 = vector.broadcast %add3A_95 : i32 to vector<16xi32>
    %add3A_97 = arith.addi %mul3A_94, %add3A_96 : vector<16xi32>
    %add3A_98 = arith.constant 1 : i32
    %add3A_99 = vector.broadcast %add3A_98 : i32 to vector<16xi32>
    %add3A_100 = arith.addi %add3A_97, %add3A_99 : vector<16xi32>
    %gather3A_101 = tpu.vector_load_idx %arg12[%add3A_100] : memref<768xi32, #tpu.memory_space<vmem>>[vector<16xi32>], vector<16xi32>,
    %mul3A_102 = arith.constant 2 : i32
    %mul3A_103 = vector.broadcast %mul3A_102 : i32 to vector<16xi32>
    %mul3A_104 = arith.muli %mul3A_103, %iota3A : vector<16xi32>
    %lt3A = vector.broadcast %add3A : i32 to vector<16xi32>
    %lt3A_105 = arith.cmpi slt, %mul3A_104, %lt3A : vector<16xi32>
    %select_n3A_106 = arith.select %lt3A_105, %gather3A, %broadcast_in_dim3A_26 : vector<16xi1>, vector<16xi32>
    %reduce_sum3A = arith.constant true
    %reduce_sum3A_107 = vector.broadcast %reduce_sum3A : i1 to vector<16xi1>
    %reduce_sum3A_108 = tpu.scan <sum>, %select_n3A_106 masked %reduce_sum3A_107 : vector<16xi32>, vector<16xi1> -> vector<16xi32>
    %reduce_sum3A_109 = vector.extract %reduce_sum3A_108[15] : i32 from vector<16xi32>
    %mul3A_110 = arith.constant 2 : i32
    %mul3A_111 = vector.broadcast %mul3A_110 : i32 to vector<16xi32>
    %mul3A_112 = arith.muli %mul3A_111, %iota3A : vector<16xi32>
    %add3A_113 = arith.constant 1 : i32
    %add3A_114 = vector.broadcast %add3A_113 : i32 to vector<16xi32>
    %add3A_115 = arith.addi %mul3A_112, %add3A_114 : vector<16xi32>
    %lt3A_116 = vector.broadcast %add3A : i32 to vector<16xi32>
    %lt3A_117 = arith.cmpi slt, %add3A_115, %lt3A_116 : vector<16xi32>
    %select_n3A_118 = arith.select %lt3A_117, %gather3A_101, %broadcast_in_dim3A_26 : vector<16xi1>, vector<16xi32>
    %reduce_sum3A_119 = arith.constant true
    %reduce_sum3A_120 = vector.broadcast %reduce_sum3A_119 : i1 to vector<16xi1>
    %reduce_sum3A_121 = tpu.scan <sum>, %select_n3A_118 masked %reduce_sum3A_120 : vector<16xi32>, vector<16xi1> -> vector<16xi32>
    %reduce_sum3A_122 = vector.extract %reduce_sum3A_121[15] : i32 from vector<16xi32>
    %add3A_123 = arith.addi %reduce_sum3A_109, %reduce_sum3A_122 : i32
    %while3A:2 = scf.while (%while3A_175 = %add3A, %while3A_176 = %add3A_123) : (i32, i32) -> (i32, i32) {
      %lt3A_177 = arith.constant 32 : i32
      %lt3A_178 = arith.cmpi slt, %while3A_175, %lt3A_177 : i32
      %add3A_179 = arith.constant 16 : i32
      %add3A_180 = arith.addi %mul3A_83, %add3A_179 : i32
      %lt3A_181 = arith.cmpi slt, %while3A_176, %add3A_180 : i32
      %and3A = arith.andi %lt3A_178, %lt3A_181 : i1
      scf.condition(%and3A) %while3A_175, %while3A_176 : i32, i32
    } do {
    ^bb0(%while3A_175: i32, %while3A_176: i32):
      %shift_right_logical3A_177 = arith.constant 1 : i32
      %shift_right_logical3A_178 = arith.shrui %while3A_175, %shift_right_logical3A_177 : i32
      %mul3A_179 = arith.constant 48 : i32
      %mul3A_180 = arith.muli %shift_right_logical3A_178, %mul3A_179 : i32
      %and3A = arith.constant 1 : i32
      %and3A_181 = arith.andi %while3A_175, %and3A : i32
      %mul3A_182 = arith.constant 16 : i32
      %mul3A_183 = arith.muli %and3A_181, %mul3A_182 : i32
      %add3A_184 = arith.addi %mul3A_180, %mul3A_183 : i32
      %add3A_185 = vector.broadcast %add3A_184 : i32 to vector<16xi32>
      %add3A_186 = arith.addi %add3A_185, %iota3A : vector<16xi32>
      %gather3A_187 = tpu.vector_load_idx %arg12[%add3A_186] : memref<768xi32, #tpu.memory_space<vmem>>[vector<16xi32>], vector<16xi32>,
      %ne3A_188 = arith.constant 0 : i32
      %ne3A_189 = vector.broadcast %ne3A_188 : i32 to vector<16xi32>
      %ne3A_190 = arith.cmpi ne, %gather3A_187, %ne3A_189 : vector<16xi32>
      %broadcast_in_dim3A_191 = arith.constant true
      %broadcast_in_dim3A_192 = vector.broadcast %broadcast_in_dim3A_191 : i1 to vector<16xi1>
      %masked_cumsum3A = tpu.scan <sum>, %gather3A_187 masked %broadcast_in_dim3A_192 : vector<16xi32>, vector<16xi1> -> vector<16xi32>
      %add3A_193 = vector.broadcast %while3A_176 : i32 to vector<16xi32>
      %add3A_194 = arith.addi %masked_cumsum3A, %add3A_193 : vector<16xi32>
      %sub3A = arith.constant 1 : i32
      %sub3A_195 = vector.broadcast %sub3A : i32 to vector<16xi32>
      %sub3A_196 = arith.subi %add3A_194, %sub3A_195 : vector<16xi32>
      %ge3A = vector.broadcast %mul3A_83 : i32 to vector<16xi32>
      %ge3A_197 = arith.cmpi sge, %sub3A_196, %ge3A : vector<16xi32>
      %and3A_198 = arith.andi %ne3A_190, %ge3A_197 : vector<16xi1>
      %add3A_199 = arith.constant 16 : i32
      %add3A_200 = arith.addi %mul3A_83, %add3A_199 : i32
      %lt3A_201 = vector.broadcast %add3A_200 : i32 to vector<16xi32>
      %lt3A_202 = arith.cmpi slt, %sub3A_196, %lt3A_201 : vector<16xi32>
      %and3A_203 = arith.andi %and3A_198, %lt3A_202 : vector<16xi1>
      %sub3A_204 = vector.broadcast %mul3A_83 : i32 to vector<16xi32>
      %sub3A_205 = arith.subi %sub3A_196, %sub3A_204 : vector<16xi32>
      %mul3A_206 = arith.constant 16 : i32
      %mul3A_207 = arith.muli %while3A_175, %mul3A_206 : i32
      %add3A_208 = vector.broadcast %mul3A_207 : i32 to vector<16xi32>
      %add3A_209 = arith.addi %iota3A, %add3A_208 : vector<16xi32>
      tpu.vector_store_idx %arg13[%sub3A_205], %add3A_209 masked %and3A_203 : memref<16xi32, #tpu.memory_space<vmem>>[vector<16xi32>], vector<16xi32>, vector<16xi1>
      %add3A_210 = arith.constant 32 : i32
      %add3A_211 = arith.addi %mul3A_180, %add3A_210 : i32
      %and3A_212 = arith.constant 1 : i32
      %and3A_213 = arith.andi %while3A_175, %and3A_212 : i32
      %add3A_214 = arith.addi %add3A_211, %and3A_213 : i32
      %broadcast_in_dim3A_215 = vector.broadcast %add3A_214 : i32 to vector<16xi32>
      %gather3A_216 = tpu.vector_load_idx %arg12[%broadcast_in_dim3A_215] : memref<768xi32, #tpu.memory_space<vmem>>[vector<16xi32>], vector<16xi32>,
      %add3A_217 = arith.constant 1 : i32
      %add3A_218 = arith.addi %while3A_175, %add3A_217 : i32
      %slice3A = vector.extract_strided_slice %gather3A_216 {offsets = [0], sizes = [1], strides = [1]} : vector<16xi32> to vector<1xi32>
      %squeeze3A = vector.extract %slice3A[0] : i32 from vector<1xi32>
      %add3A_219 = arith.addi %while3A_176, %squeeze3A : i32
      scf.yield %add3A_218, %add3A_219 : i32, i32
    }
    %get3A = arith.constant 0 : index
    %get3A_124 = tpu.vector_load %arg13[%get3A] {strides = array<i32>} : memref<16xi32, #tpu.memory_space<vmem>>, vector<16xi32>,
    %shift_right_logical3A = arith.constant 5 : i32
    %shift_right_logical3A_125 = vector.broadcast %shift_right_logical3A : i32 to vector<16xi32>
    %shift_right_logical3A_126 = arith.shrui %get3A_124, %shift_right_logical3A_125 : vector<16xi32>
    %swap3A_127 = arith.constant 0 : index
    %swap3A_128 = tpu.vector_load %arg14[%swap3A_127] {strides = array<i32>} : memref<16xi32, #tpu.memory_space<vmem>>, vector<16xi32>,
    tpu.vector_store %arg14[%swap3A_127], %shift_right_logical3A_126 {strides = array<i32>} : memref<16xi32, #tpu.memory_space<vmem>>, vector<16xi32>,
    %dma_start3A_129 = arith.constant 0 : i32
    %dma_start3A_130 = arith.constant 0 : i32
    %dma_start3A_131 = tpu.memref_slice %arg2[%dma_start3A_129, %dma_start3A_130] : memref<512x128xi32, #tpu.memory_space<hbm>> -> memref<512x128xi32, #tpu.memory_space<hbm>>
    tpu.enqueue_indirect_dma source(%dma_start3A_131 : memref<512x128xi32, #tpu.memory_space<hbm>>) target(%arg17 : memref<16x128xi32, #tpu.memory_space<vmem>>) offsets(%arg13 : memref<16xi32, #tpu.memory_space<vmem>>) semaphore(%arg19 : memref<!tpu.dma_semaphore, #tpu.memory_space<semaphore_mem>>)
    %dma_start3A_132 = arith.constant 0 : i32
    %dma_start3A_133 = arith.constant 0 : i32
    %dma_start3A_134 = tpu.memref_slice %arg4[%dma_start3A_132, %dma_start3A_133] : memref<512x256xf32, #tpu.memory_space<hbm>> -> memref<512x256xf32, #tpu.memory_space<hbm>>
    tpu.enqueue_indirect_dma source(%dma_start3A_134 : memref<512x256xf32, #tpu.memory_space<hbm>>) target(%arg18 : memref<16x256xf32, #tpu.memory_space<vmem>>) offsets(%arg13 : memref<16xi32, #tpu.memory_space<vmem>>) semaphore(%arg19 : memref<!tpu.dma_semaphore, #tpu.memory_space<semaphore_mem>>)
    %scan3A_135 = arith.constant 0 : i32
    %scan3A_136 = arith.constant 0 : i32
    %scan3A_137 = arith.constant 8 : i32
    %scan3A_138 = arith.addi %scan3A_136, %scan3A_137 : i32
    %scan3A_139 = arith.constant 1 : i32
    scf.for %scan3A_175 = %scan3A_136 to %scan3A_138 step %scan3A_139  : i32 {
      %mul3A_176 = arith.constant 16 : i32
      %mul3A_177 = arith.muli %scan3A_175, %mul3A_176 : i32
      %add3A_178 = vector.broadcast %mul3A_177 : i32 to vector<16xi32>
      %add3A_179 = arith.addi %iota3A, %add3A_178 : vector<16xi32>
      %shift_right_logical3A_180 = arith.constant 3 : i32
      %shift_right_logical3A_181 = vector.broadcast %shift_right_logical3A_180 : i32 to vector<16xi32>
      %shift_right_logical3A_182 = arith.shrui %add3A_179, %shift_right_logical3A_181 : vector<16xi32>
      %and3A = arith.constant 7 : i32
      %and3A_183 = vector.broadcast %and3A : i32 to vector<16xi32>
      %and3A_184 = arith.andi %add3A_179, %and3A_183 : vector<16xi32>
      %gather3A_185 = tpu.vector_load_idx %arg14[%shift_right_logical3A_182] : memref<16xi32, #tpu.memory_space<vmem>>[vector<16xi32>], vector<16xi32>,
      %gather3A_186 = tpu.vector_load_idx %arg15[%gather3A_185, %and3A_184] : memref<16x8xi32, #tpu.memory_space<vmem>>[vector<16xi32>, vector<16xi32>], vector<16xi32>,
      tpu.vector_store_idx %arg16[%shift_right_logical3A_182, %and3A_184], %gather3A_186 : memref<16x8xi32, #tpu.memory_space<vmem>>[vector<16xi32>, vector<16xi32>], vector<16xi32>,
    }
    %scan3A_140 = arith.constant 8 : i32
    %dma_start3A_141 = arith.constant 0 : i32
    %dma_start3A_142 = tpu.memref_slice %arg6[%mul3A_83, %dma_start3A_141] : memref<512x8xi32, #tpu.memory_space<hbm>> -> memref<16x8xi32, #tpu.memory_space<hbm>>
    %dma_start3A_143 = arith.constant 0 : i32
    %dma_start3A_144 = tpu.memref_slice %arg6[%mul3A_83, %dma_start3A_143] : memref<512x8xi32, #tpu.memory_space<hbm>> -> memref<16x8xi32, #tpu.memory_space<hbm>>
    tpu.enqueue_dma source(%arg16 : memref<16x8xi32, #tpu.memory_space<vmem>>) target(%dma_start3A_144 : memref<16x8xi32, #tpu.memory_space<hbm>>) target_semaphore(%arg20 : memref<!tpu.dma_semaphore, #tpu.memory_space<semaphore_mem>>)
    %dma_start3A_145 = tpu.memref_slice %arg8[%mul3A_83] : memref<512xi32, #tpu.memory_space<hbm>> -> memref<16xi32, #tpu.memory_space<hbm>>
    %dma_start3A_146 = tpu.memref_slice %arg8[%mul3A_83] : memref<512xi32, #tpu.memory_space<hbm>> -> memref<16xi32, #tpu.memory_space<hbm>>
    tpu.enqueue_dma source(%arg14 : memref<16xi32, #tpu.memory_space<vmem>>) target(%dma_start3A_146 : memref<16xi32, #tpu.memory_space<hbm>>) target_semaphore(%arg20 : memref<!tpu.dma_semaphore, #tpu.memory_space<semaphore_mem>>)
    %dma_wait3A_147 = arith.constant 0 : i32
    %dma_wait3A_148 = arith.constant 0 : i32
    %dma_wait3A_149 = tpu.memref_slice %arg2[%dma_wait3A_147, %dma_wait3A_148] : memref<512x128xi32, #tpu.memory_space<hbm>> -> memref<512x128xi32, #tpu.memory_space<hbm>>
    tpu.wait_indirect_dma semaphore(%arg19 : memref<!tpu.dma_semaphore, #tpu.memory_space<semaphore_mem>>) src(%dma_wait3A_149 : memref<512x128xi32, #tpu.memory_space<hbm>>) dst(%arg17 : memref<16x128xi32, #tpu.memory_space<vmem>>)
    %dma_start3A_150 = arith.constant 0 : i32
    %dma_start3A_151 = tpu.memref_slice %arg5[%mul3A_83, %dma_start3A_150] : memref<512x128xi32, #tpu.memory_space<hbm>> -> memref<16x128xi32, #tpu.memory_space<hbm>>
    %dma_start3A_152 = arith.constant 0 : i32
    %dma_start3A_153 = tpu.memref_slice %arg5[%mul3A_83, %dma_start3A_152] : memref<512x128xi32, #tpu.memory_space<hbm>> -> memref<16x128xi32, #tpu.memory_space<hbm>>
    tpu.enqueue_dma source(%arg17 : memref<16x128xi32, #tpu.memory_space<vmem>>) target(%dma_start3A_153 : memref<16x128xi32, #tpu.memory_space<hbm>>) target_semaphore(%arg20 : memref<!tpu.dma_semaphore, #tpu.memory_space<semaphore_mem>>)
    %dma_wait3A_154 = arith.constant 0 : i32
    %dma_wait3A_155 = arith.constant 0 : i32
    %dma_wait3A_156 = tpu.memref_slice %arg4[%dma_wait3A_154, %dma_wait3A_155] : memref<512x256xf32, #tpu.memory_space<hbm>> -> memref<512x256xf32, #tpu.memory_space<hbm>>
    tpu.wait_indirect_dma semaphore(%arg19 : memref<!tpu.dma_semaphore, #tpu.memory_space<semaphore_mem>>) src(%dma_wait3A_156 : memref<512x256xf32, #tpu.memory_space<hbm>>) dst(%arg18 : memref<16x256xf32, #tpu.memory_space<vmem>>)
    %dma_start3A_157 = arith.constant 0 : i32
    %dma_start3A_158 = tpu.memref_slice %arg7[%mul3A_83, %dma_start3A_157] : memref<512x256xf32, #tpu.memory_space<hbm>> -> memref<16x256xf32, #tpu.memory_space<hbm>>
    %dma_start3A_159 = arith.constant 0 : i32
    %dma_start3A_160 = tpu.memref_slice %arg7[%mul3A_83, %dma_start3A_159] : memref<512x256xf32, #tpu.memory_space<hbm>> -> memref<16x256xf32, #tpu.memory_space<hbm>>
    tpu.enqueue_dma source(%arg18 : memref<16x256xf32, #tpu.memory_space<vmem>>) target(%dma_start3A_160 : memref<16x256xf32, #tpu.memory_space<hbm>>) target_semaphore(%arg20 : memref<!tpu.dma_semaphore, #tpu.memory_space<semaphore_mem>>)
    %dma_wait3A_161 = arith.constant 0 : i32
    %dma_wait3A_162 = tpu.memref_slice %arg5[%mul3A_83, %dma_wait3A_161] : memref<512x128xi32, #tpu.memory_space<hbm>> -> memref<16x128xi32, #tpu.memory_space<hbm>>
    %dma_wait3A_163 = arith.constant 0 : i32
    %dma_wait3A_164 = tpu.memref_slice %arg5[%mul3A_83, %dma_wait3A_163] : memref<512x128xi32, #tpu.memory_space<hbm>> -> memref<16x128xi32, #tpu.memory_space<hbm>>
    tpu.wait_dma2 semaphore(%arg20 : memref<!tpu.dma_semaphore, #tpu.memory_space<semaphore_mem>>) src(%arg17 : memref<16x128xi32, #tpu.memory_space<vmem>>) dst(%dma_wait3A_164 : memref<16x128xi32, #tpu.memory_space<hbm>>)
    %dma_wait3A_165 = arith.constant 0 : i32
    %dma_wait3A_166 = tpu.memref_slice %arg7[%mul3A_83, %dma_wait3A_165] : memref<512x256xf32, #tpu.memory_space<hbm>> -> memref<16x256xf32, #tpu.memory_space<hbm>>
    %dma_wait3A_167 = arith.constant 0 : i32
    %dma_wait3A_168 = tpu.memref_slice %arg7[%mul3A_83, %dma_wait3A_167] : memref<512x256xf32, #tpu.memory_space<hbm>> -> memref<16x256xf32, #tpu.memory_space<hbm>>
    tpu.wait_dma2 semaphore(%arg20 : memref<!tpu.dma_semaphore, #tpu.memory_space<semaphore_mem>>) src(%arg18 : memref<16x256xf32, #tpu.memory_space<vmem>>) dst(%dma_wait3A_168 : memref<16x256xf32, #tpu.memory_space<hbm>>)
    %dma_wait3A_169 = arith.constant 0 : i32
    %dma_wait3A_170 = tpu.memref_slice %arg6[%mul3A_83, %dma_wait3A_169] : memref<512x8xi32, #tpu.memory_space<hbm>> -> memref<16x8xi32, #tpu.memory_space<hbm>>
    %dma_wait3A_171 = arith.constant 0 : i32
    %dma_wait3A_172 = tpu.memref_slice %arg6[%mul3A_83, %dma_wait3A_171] : memref<512x8xi32, #tpu.memory_space<hbm>> -> memref<16x8xi32, #tpu.memory_space<hbm>>
    tpu.wait_dma2 semaphore(%arg20 : memref<!tpu.dma_semaphore, #tpu.memory_space<semaphore_mem>>) src(%arg16 : memref<16x8xi32, #tpu.memory_space<vmem>>) dst(%dma_wait3A_172 : memref<16x8xi32, #tpu.memory_space<hbm>>)
    %dma_wait3A_173 = tpu.memref_slice %arg8[%mul3A_83] : memref<512xi32, #tpu.memory_space<hbm>> -> memref<16xi32, #tpu.memory_space<hbm>>
    %dma_wait3A_174 = tpu.memref_slice %arg8[%mul3A_83] : memref<512xi32, #tpu.memory_space<hbm>> -> memref<16xi32, #tpu.memory_space<hbm>>
    tpu.wait_dma2 semaphore(%arg20 : memref<!tpu.dma_semaphore, #tpu.memory_space<semaphore_mem>>) src(%arg14 : memref<16xi32, #tpu.memory_space<vmem>>) dst(%dma_wait3A_174 : memref<16xi32, #tpu.memory_space<hbm>>)
    return
  }
}

</mosaic_0001>

<sc_bundles>
// kernel: _dpl_call.3.cloned.1.call-start
scs
__scs_entry_jumppad:
0x0: {  	(pc) =	sbr.rel $0x88, $3  }
0x1: {  	(tag) =	ssettag $0x0;
	lr =	simm.s32 $0x1  }
0x2: {  	[smem:$0x3F9E] =	sst lr;
	_ =	strace $0xD0000000  }
0x3: {  	_ = 	snop  }
0x4: {  	_ = 	snop  }
0x5: {  	_ = 	snop  }
0x6: {  	_ = 	snop  }
0x7: {  	_ = 	snop  }
__scs_overlays_trampoline_lowered:
0x8: {  	[smem:$0x3FAD] =	sst s0  }
0x9: {  	[smem:$0x3FAE] =	sst s1  }
0xa: {  	[smem:$0x3FAF] =	sst s2  }
0xb: {  	[smem:$0x3FB0] =	sst s3  }
0xc: {  	[smem:$0x3FB1] =	sst s4  }
0xd: {  	[smem:$0x3FB2] =	sst s5  }
0xe: {  	[smem:$0x3FB3] =	sst s6  }
0xf: {  	[smem:$0x3FB4] =	sst s7  }
0x10: {  	[smem:$0x3FB5] =	sst s8  }
0x11: {  	[smem:$0x3FB6] =	sst s9;
	s0 =	simm.s32 @!p0 $0x0  }
0x12: {  	s1 =	sld [smem:$0x3F9C];
	s0 =	simm.s32 @p0 $0x1  }
0x13: {  	[smem:$0x3FB7] =	sst s0;
	s0 =	simm.s32 @!p1 $0x0  }
0x14: {  	s2 =	sld [smem:$0x3F9B];
	s0 =	simm.s32 @p1 $0x1  }
0x15: {  	[smem:$0x3FB8] =	sst s0;
	s0 =	simm.s32 @!p2 $0x0  }
0x16: {  	s3 =	sld [smem:$0x3FDB];
	s0 =	simm.s32 @p2 $0x1  }
0x17: {  	s4 =	simm.s32 $0x1BF5;
	[smem:$0x3FBA] =	sst s0  }
0x18: {  	s0 =	sld [smem:$0x3F9D];
	_ =	swait.ge [sflag:s4], $0x0  }
0x19: {  	s7 =	sld [smem:$0x3F9E]  }
0x1a: {  	s8 =	sadd.s32 $0xFFFFE003, lr  }
0x1b: {  	s9 =	sadd.s32 $0xFFFFFEF7, lr;
	s5 =	simm.s32 $0xFFFFFFFF;
	p2 =	slt.u32 s8, $0xFFFFF086  }
0x1c: {  	p1 =	slt.u32 s9, $0xF7A;
	s5 =	simm.s32 @!p2 $0x0  }
0x1d: {  	s5 =	simm.s32 @p1 $0x1;
	p0 =	seq.s32 s7, s2  }
0x1e: {  	s7 =	smul.u32 @!p0 $0xF7A, s2;
	p2 =	seq.s32 @!p0 s5, $0x0  }
0x1f: {  	s9 =	smul.u32 $0xF7A, s1;
	s8 =	simm.s32 @!p0 $0x1BF5;
	p2 =	por !p2, p0  }
0x20: {  	[sflag:s8] =	ssyncset.s32 @!p0 $0xFFFFF086;
	s6 =	sadd.s32 @!p0 s3, s7;
	s7 =	simm.s32 @!p0 $0x108  }
0x21: {  	s3 =	sadd.s32 s3, s9;
	s6 =	sadd.s32 @!p0 $0x88, s6;
	s7 =	simm.s32 @p2 $0x1082  }
0x22: {  	[simem:s7], [sflag:s8] =	dma.local @!p0 [hbm:s6], $0xF7A  }
0x23: {  	s9 =	sor.u32 $0xD0000000, s2;
	s6 =	simm.s32 $0x108;
	_ =	swait.ge @!p0 [sflag:s8], $0x0  }
0x24: {  	s3 =	sadd.s32 $0x88, s3;
	s6 =	simm.s32 @!p1 $0x1082;
	[sflag:s4] =	ssyncset.s32 $0xFFFFF086  }
0x25: {  	[simem:s6], [sflag:s4] =	dma.local [hbm:s3], $0xF7A  }
0x26: {  	[smem:$0x3F9E] =	sst s1;
	(tag) =	ssettag s2;
	_ =	strace s9  }
0x27: {  	s1 =	sld [smem:$0x3FAE]  }
0x28: {  	s2 =	sld [smem:$0x3FAF]  }
0x29: {  	s4 =	sld [smem:$0x3FB1]  }
0x2a: {  	p0 =	seq.s32 s5, $0x0;
	s5 =	sld [smem:$0x3FB2]  }
0x2b: {  	s6 =	sld [smem:$0x3FB3]  }
0x2c: {  	s7 =	sld [smem:$0x3FB4]  }
0x2d: {  	s3 =	simm.s32 $0x108;
	s8 =	sld [smem:$0x3FB5]  }
0x2e: {  	s3 =	simm.s32 @!p0 $0x1082;
	s9 =	sld [smem:$0x3FB6]  }
0x2f: {  	lr =	sadd.s32 s0, s3;
	s0 =	sld [smem:$0x3FAD]  }
0x30: {  	s3 =	sld [smem:$0x3FB0]  }
0x31: {  	[smem:$0x3FB9] =	sst s10  }
0x32: {  	s10 =	sld [smem:$0x3FB7];
	_ =	sdelay $0x3  }
0x33: {  	p0 =	seq.s32 s10, $0x1;
	s10 =	sld [smem:$0x3FB9];
	_ =	sdelay $0x3  }
0x34: {  	[smem:$0x3FB9] =	sst s10  }
0x35: {  	s10 =	sld [smem:$0x3FB8];
	_ =	sdelay $0x3  }
0x36: {  	p1 =	seq.s32 s10, $0x1;
	s10 =	sld [smem:$0x3FB9];
	_ =	sdelay $0x3  }
0x37: {  	[smem:$0x3FB9] =	sst s10  }
0x38: {  	s10 =	sld [smem:$0x3FBA]  }
0x39: {  	_ = 	snop;
	(pc) =	sbr.ind lr, $3  }
0x3a: {  	_ = 	snop  }
0x3b: {  	_ = 	snop  }
0x3c: {  	p2 =	seq.s32 s10, $0x1;
	s10 =	sld [smem:$0x3FB9]  }
0x3d: {  	_ =	shalt  }
0x3e: {  	_ =	shalt  }
0x3f: {  	_ =	shalt  }
0x40: {  	_ =	shalt  }
0x41: {  	_ =	shalt  }
0x42: {  	_ =	shalt  }
0x43: {  	_ =	shalt  }
0x44: {  	_ =	shalt  }
0x45: {  	_ =	shalt  }
0x46: {  	_ =	shalt  }
0x47: {  	_ =	shalt  }
0x48: {  	_ =	shalt  }
0x49: {  	_ =	shalt  }
0x4a: {  	_ =	shalt  }
0x4b: {  	_ =	shalt  }
0x4c: {  	_ =	shalt  }
0x4d: {  	_ =	shalt  }
0x4e: {  	_ =	shalt  }
0x4f: {  	_ =	shalt  }
0x50: {  	_ =	shalt  }
0x51: {  	_ =	shalt  }
0x52: {  	_ =	shalt  }
0x53: {  	_ =	shalt  }
0x54: {  	_ =	shalt  }
0x55: {  	_ =	shalt  }
0x56: {  	_ =	shalt  }
0x57: {  	_ =	shalt  }
0x58: {  	_ =	shalt  }
0x59: {  	_ =	shalt  }
0x5a: {  	_ =	shalt  }
0x5b: {  	_ =	shalt  }
0x5c: {  	_ =	shalt  }
0x5d: {  	_ =	shalt  }
0x5e: {  	_ =	shalt  }
0x5f: {  	_ =	shalt  }
0x60: {  	_ =	shalt  }
0x61: {  	_ =	shalt  }
0x62: {  	_ =	shalt  }
0x63: {  	_ =	shalt  }
0x64: {  	_ =	shalt  }
0x65: {  	_ =	shalt  }
0x66: {  	_ =	shalt  }
0x67: {  	_ =	shalt  }
0x68: {  	_ =	shalt  }
0x69: {  	_ =	shalt  }
0x6a: {  	_ =	shalt  }
0x6b: {  	_ =	shalt  }
0x6c: {  	_ =	shalt  }
0x6d: {  	_ =	shalt  }
0x6e: {  	_ =	shalt  }
0x6f: {  	_ =	shalt  }
0x70: {  	_ =	shalt  }
0x71: {  	_ =	shalt  }
0x72: {  	_ =	shalt  }
0x73: {  	_ =	shalt  }
0x74: {  	_ =	shalt  }
0x75: {  	_ =	shalt  }
0x76: {  	_ =	shalt  }
0x77: {  	_ =	shalt  }
0x78: {  	_ =	shalt  }
0x79: {  	_ =	shalt  }
0x7a: {  	_ =	shalt  }
0x7b: {  	_ =	shalt  }
0x7c: {  	_ =	shalt  }
0x7d: {  	_ =	shalt  }
0x7e: {  	_ =	shalt  }
0x7f: {  	_ =	shalt  }
0x80: {  	_ =	shalt  }
0x81: {  	_ =	shalt  }
0x82: {  	_ =	shalt  }
0x83: {  	_ =	shalt  }
0x84: {  	_ =	shalt  }
0x85: {  	_ =	shalt  }
0x86: {  	_ =	shalt  }
0x87: {  	_ =	shalt  }
.Lfunc_end0:
.L_simem_size_0:
called_computation_lowered:
.L_overlay_start_0:
0x88: {  	s2 =	sld [smem:$0x3FD9]  }
0x89: {  	s3 =	sld [smem:$0x3FFE];
	_ =	sdelay $0x1  }
0x8a: {  	s1 =	srdreg.scid  }
0x8b: {  	s0 =	sand.u32 $0x1, s1  }
0x8c: {  	s14 =	sshll.u32 s0, $0xA;
	s2 =	sadd.s32 s3, s2  }
0x8d: {  	s2 =	sadd.s32 s2, s14  }
0x8e: {  	[smem:$0x3FC5] =	sst s2  }
0x8f: {  	_ = 	snop  }
0x90: {  	s2 =	sld [smem:$0x3FD0];
	_ =	sdelay $0x1  }
0x91: {  	s15 =	sld [smem:$0x3FC9]  }
0x92: {  	s5 =	simm.s32 $0xA;
	s6 =	simm.s32 $0x10;
	s4 =	sld [smem:$0x3FC7]  }
0x93: {  	[smem:s6], [sflag:s5] =	dma.local [hbm:s2], $0x1  }
0x94: {  	_ =	swait.eq [sflag:s5], $0x1  }
0x95: {  	s16 =	sld [smem:$0x10]  }
0x96: {  	s17 =	sld [smem:$0x11];
	[sflag:s5] =	ssyncset.done $0x0  }
0x97: {  	s7 =	sld [smem:$0x12];
	[sflag:s5] =	ssyncadd.s32 $0xFFFFFFFF  }
0x98: {  	s18 =	sld [smem:$0x13];
	(tm) =	ssettm $0x1  }
0x99: {  	s8 =	sld [smem:$0x3FFB];
	_ =	sdelay $0x3  }
0x9a: {  	_ =	strace s8  }
0x9b: {  	s8 =	sld [smem:$0x3FFC];
	_ =	sdelay $0x3  }
0x9c: {  	_ =	strace s8  }
0x9d: {  	s8 =	sld [smem:$0x3FFD];
	_ =	sdelay $0x3  }
0x9e: {  	_ =	strace s8  }
0x9f: {  	_ =	strace $0x8FFFFFFF  }
0xa0: {  	s19 =	sld [smem:$0x3FDB];
	_ =	sdelay $0x1  }
0xa1: {  	s9 =	simm.s32 $_scs_section_size  }
0xa2: {  	s10 =	simm.s32 $_size__tile_overlayer_lowered;
	s11 =	simm.s32 $_tile_overlayer_lowered  }
0xa3: {  	s22 =	simm.s32 $0x1BFF;
	s21 =	sshll.u32 s11, $0x1;
	s8 =	sadd.s32 s9, s19  }
0xa4: {  	s12 =	simm.s32 $0x0;
	s20 =	sshll.u32 s10, $0x1;
	s10 =	sadd.s32 s21, s8  }
0xa5: {  	[timem:s12], [sflag:s22] =	dma.local [hbm:s10], s20  }
0xa6: {  	_ =	swait.ge [sflag:s22], s20  }
0xa7: {  	s9 =	ssub.s32 $0x0, s20;
	[sflag:s22] =	ssyncset.done $0x0  }
0xa8: {  	[sflag:s22] =	ssyncadd.s32 s9;
	_ =	sdelay $0x1  }
0xa9: {  	s23 =	simm.s32 $0x1B8B  }
0xaa: {  	_ =	swait.ge [sflag:s23], $0x1  }
0xab: {  	[sflag:s23] =	ssyncset.done $0x0  }
0xac: {  	s25 =	simm.s32 $0x1B8E;
	s24 =	sld [smem:$0x3FFE];
	[sflag:s23] =	ssyncadd.s32 $0xFFFFFFFF  }
0xad: {  	s26 =	simm.s32 $execute0_lowered;
	[smem:$0x3FD2] =	sst s25  }
0xae: {  	s10 =	sshll.u32 s26, $0x1;
	_ =	strace $0x80000046;
	[dreg:$0x1] =	wrdreg $0xFFFFFFFF  }
0xaf: {  	s28 =	simm.s32 $_size_execute0_lowered;
	s8 =	sadd.s32 s8, s10;
	[dreg:$0x0] =	wrdreg $0x0  }
0xb0: {  	s10 =	sshll.u32 s28, $0x1;
	[dreg:$0x2] =	wrdreg s8  }
0xb1: {  	[dreg:$0x3] =	wrdreg s10  }
0xb2: {  	[dreg:$0x4] =	wrdreg $0xC0  }
0xb3: {  	_ =	task [dreg:s12], $0x5FFFF  }
0xb4: {  	[dreg:$0x1] =	wrdreg $0xFFFFFFFF  }
0xb5: {  	[dreg:$0x0] =	wrdreg $0x60  }
0xb6: {  	[dreg:$0x2] =	wrdreg s15  }
0xb7: {  	[dreg:$0x3] =	wrdreg s17  }
0xb8: {  	[dreg:$0x4] =	wrdreg s4  }
0xb9: {  	[dreg:$0x5] =	wrdreg s16  }
0xba: {  	[dreg:$0x6] =	wrdreg s24  }
0xbb: {  	[dreg:$0x7] =	wrdreg s7  }
0xbc: {  	[dreg:$0x8] =	wrdreg s18  }
0xbd: {  	[dreg:$0x9] =	wrdreg $0x10800  }
0xbe: {  	[dreg:$0xa] =	wrdreg $0x9  }
0xbf: {  	_ =	task.clear_ibuf [dreg:s12], $0xBFFFF;
	_ =	strace $0x90000046  }
0xc0: {  	s29 =	simm.s32 $0x9;
	_ =	strace $0x80000048  }
0xc1: {  	_ =	swait.ge [sflag:s29], $0x1  }
0xc2: {  	[sflag:s29] =	ssyncadd.s32 $0xFFFFFFFF  }
0xc3: {  	_ =	strace $0x90000048  }
0xc4: {  	_ =	sfence  }
0xc5: {  	s30 =	sld [smem:$0x0];
	_ =	sdelay $0x2  }
0xc6: {  	s31 =	sshll.u32 s1, $0xD;
	s1 =	sshrl.u32 s1, $0x2  }
0xc7: {  	s3 =	sand.u32 $0x4000, s31;
	s1 =	sadd.s32 s1, s30  }
0xc8: {  	s0 =	sor.u32 s3, s0;
	s1 =	sshll.u32 s1, $0x11  }
0xc9: {  	s0 =	sor.u32 s1, s0  }
0xca: {  	s0 =	sadd.s32 $0x8F2B, s0  }
0xcb: {  	[sflag:s0] =	ssyncadd.remote.s32 $0x1  }
0xcc: {  	_ =	sfence.sel $0xFFFF  }
0xcd: {  	[dreg:$0x0] =	wrdreg $0xFFFFFFFF;
	(pc) =	sbr.abs _section_cstart, $3  }
0xce: {  	[dreg:$0x1] =	wrdreg $0xFFFFFFFF  }
0xcf: {  	_ =	task.clear_ibuf [dreg:s12], $0x2FFFF;
	_ =	strace $0x9FFFFFFF  }
0xd0: {  	(tm) =	ssettm $0x7FFFFFFF  }
0xd1: {  	_ =	shalt  }
tec
execute0_lowered:
.L_overlay_start_1:
0x0: {  	(tag) =	ssettag $0x1  }
0x1: {  	s12 =	rddreg [dreg:$0x0]  }
0x2: {  	s2 =	rddreg [dreg:$0x2]  }
0x3: {  	s0 =	rddreg [dreg:$0x3]  }
0x4: {  	s1 =	rddreg [dreg:$0x4]  }
0x5: {  	s3 =	rddreg [dreg:$0x5]  }
0x6: {  	s5 =	rddreg [dreg:$0x6]  }
0x7: {  	s13 =	rddreg [dreg:$0x7];
	s4 =	srdreg.scid  }
0x8: {  	s6 =	simm.s32 $0x0;
	s17 =	stileid.u32;
	s19 =	simm.s32 $0x14B0  }
0x9: {  	s20 =	simm.s32 $0x3;
	s21 =	simm.s32 $0x1;
	s28 =	simm.s32 $0x2CB0  }
0xa: {  	s29 =	simm.s32 $0x34B0;
	s30 =	simm.s32 $0x1430;
	s31 =	simm.s32 $0x1CB0  }
0xb: {  	s7 =	sand.u32 $0x1, s4;
	[smem:$0x7FF] =	sst s6;
	s10 =	sshll.u32 s17, $0x9  }
0xc: {  	s11 =	smul.u32 $0xC0, s17;
	s26 =	sshll.u32 s17, $0x4;
	s4 =	sshll.u32 s7, $0x4  }
0xd: {  	_ =	strace $0x80000047;
	s8 =	ssub.s32 $0x2, s7;
	s25 =	sshll.u32 s7, $0x8  }
0xe: {  	s4 =	sor.u32 s17, s4;
	s9 =	sshrl.u32 s8, $0x1;
	s22 =	sshrl.u32 s11, $0x2  }
0xf: {  	v0 =	vlaneseq.u32;
	vm2 =	vcmask $0x3F08;
	vm3 =	vmmov $0x1;
	s14 =	sshll.u32 s4, $0x8;
	s16 =	ssub.s32 s8, s9;
	s8 =	sadd.s32 s12, s10  }
0x10: {  	vm4 =	vmmov $0xffff;
	v1 =	vmul.u32 $0x80, v0;
	v5 =	vmul.u32 $0x2, v0;
	s15 =	sshll.u32 s4, $0x4;
	s10 =	sadd.s32 s22, s13;
	s23 =	sshll.u32 s4, $0x1  }
0x11: {  	v8 =	vmul.u32 $0x30, v0;
	v9 =	vshrl.u32 v0, $0x3;
	v10 =	vor.u32 $0x8, v0;
	s24 =	sshll.u32 s4, $0x9;
	s1 =	sadd.s32 s14, s1;
	s9 =	sadd.s32 $0x100, s8  }
0x12: {  	v9 =	vmul.u32 $0x8, v9;
	v7 =	vor.u32 $0x1, v5;
	v6 =	vmov s4;
	s11 =	sadd.s32 $0x10, s15;
	s13 =	sadd.s32 s5, s23;
	s14 =	sadd.s32 s0, s14  }
0x13: {  	v4 =	vor.u32 $0x800, v1;
	v2 =	vmov s15;
	s15 =	sadd.s32 s3, s24;
	s16 =	smax.u32 s16, $0x1;
	s0 =	sor.u32 s26, s25;
	vm0 =	vgt.u32 v6, v7  }
0x14: {  	vm1 =	vgt.u32 v6, v5;
	v5 =	vimm.s32 $0x0;
	s23 =	simm.s32 $0x10B0;
	v6 =	vadd.s32 $0x20, v8;
	s24 =	simm.s32 $0x13B0;
	s26 =	simm.s32 $0x24B0  }
0x15: {  	v7 =	vadd.s32 $0x21, v8;
	v8 =	vand.u32 $0x7, v0;
	s3 =	simm.s32 $0x2;
	s5 =	simm.s32 $0x0;
	s12 =	sadd.s32 $0x800, s1;
	v3 =	vmov s11  }
.LBB2_1:
0x16: {  	[tilespmem:s6], [sflag:$0x1] =	stream.linear.gather [hbm4b:s8+s6], $0x800, $0x38;
	[tilespmem:$0x3CB0] =	vst v63  }
0x17: {  	s1 =	simm.s32 $0x800;
	s22 =	simm.s32 $0x1  }
0x18: {  	v11 =	vmov s6;
	[tilespmem:s1], [sflag:$0x1] =	stream.linear.gather [hbm4b:s9+s6], $0x800, $0x38;
	[tilespmem:$0x3CB0] =	vst v63  }
0x19: {  	s7 =	simm.s32 $0x2;
	s25 =	rddreg [dreg:$0x1];
	s17 =	simm.s32 $0x3;
	v12 =	vmov s22;
	v11 =	vand.u32 $0x7C, v11  }
0x1a: {  	v13 =	vmov s7;
	v12 =	vand.u32 $0x7D, v12;
	v11 =	vbroadcast v11, $0x0;
	[tilespmem:s19], [sflag:$0x3] =	stream.linear.gather [hbm4b:s25+s6], $0x800, $0x38;
	[tilespmem:$0x3CB0] =	vst v63  }
0x1b: {  	v14 =	vmov s17;
	v13 =	vand.u32 $0x7E, v13;
	v12 =	vbroadcast v12, $0x0;
	_ =	swait.ge [sflag:s20], $0x800  }
0x1c: {  	v14 =	vand.u32 $0x7F, v14;
	v13 =	vbroadcast v13, $0x0;
	v11 =	vor.u32 v1, v11;
	[sflag:s20] =	ssyncset.done $0x0  }
0x1d: {  	s18 =	simm.s32 $0x4;
	v14 =	vbroadcast v14, $0x0;
	v12 =	vor.u32 v1, v12;
	[sflag:s20] =	ssyncadd.s32 $0xFFFFF800  }
0x1e: {  	v15 =	vmov s18;
	s25 =	simm.s32 $0x5;
	v13 =	vor.u32 v1, v13;
	_ =	swait.ge [sflag:s21], $0x800  }
0x1f: {  	s22 =	simm.s32 $0x6;
	v15 =	vand.u32 $0x7C, v15;
	v17 =	vmov s25;
	v14 =	vor.u32 v1, v14;
	[sflag:s21] =	ssyncset.done $0x0  }
0x20: {  	s17 =	simm.s32 $0x7;
	v16 =	vmov s22;
	v15 =	vbroadcast v15, $0x0;
	v17 =	vand.u32 $0x7D, v17;
	[sflag:s21] =	ssyncadd.s32 $0xFFFFF800  }
0x21: {  	v18 =	vmov s17;
	v16 =	vand.u32 $0x7E, v16;
	v17 =	vbroadcast v17, $0x0;
	v11 =	vld.idx.msk [tilespmem:v11+s6+$0x0], $0xffff  }
0x22: {  	s18 =	simm.s32 $0x8;
	v18 =	vand.u32 $0x7F, v18;
	v19 =	vbroadcast v16, $0x0;
	v15 =	vor.u32 v1, v15;
	v12 =	vld.idx.msk [tilespmem:v12+s6+$0x0], $0xffff  }
0x23: {  	s22 =	simm.s32 $0xB;
	v21 =	vmov s18;
	v18 =	vbroadcast v18, $0x0;
	v16 =	vor.u32 v1, v17;
	v13 =	vld.idx.msk [tilespmem:v13+s6+$0x0], $0xffff  }
0x24: {  	v20 =	vmov s22;
	v22 =	vand.u32 $0x7C, v21;
	s25 =	simm.s32 $0xA;
	v17 =	vor.u32 v1, v19;
	v14 =	vld.idx.msk [tilespmem:v14+s6+$0x0], $0xffff  }
0x25: {  	s7 =	simm.s32 $0x9;
	s1 =	simm.s32 $0xC;
	v21 =	vmov s25;
	v18 =	vor.u32 v1, v18;
	v19 =	vimm.s32 $0x0  }
.LBB2_2:
0x26: {  	p0 =	sne.s32 s1, $0x7C;
	v23 =	vmov s7;
	v20 =	vand.u32 $0x7F, v20;
	v19 =	vor.u32 v19, v11  }
0x27: {  	v22 =	vbroadcast v22, $0x0;
	v23 =	vand.u32 $0x7D, v23;
	v11 =	vld.idx.msk [tilespmem:v15+s6+$0x0], $0xffff;
	v15 =	vor.u32 v12, v19  }
.Ltmp0:
0x28: {  	v19 =	vand.u32 $0x7E, v21;
	v23 =	vbroadcast v23, $0x0;
	v12 =	vld.idx.msk [tilespmem:v16+s6+$0x0], $0xffff;
	v16 =	vor.u32 v13, v15;
	(pc) =	sbr.rel @p0 .LBB2_2-.Ltmp0, $4  }
0x29: {  	v15 =	vor.u32 v1, v22;
	v21 =	vbroadcast v19, $0x0;
	v13 =	vld.idx.msk [tilespmem:v17+s6+$0x0], $0xffff;
	v19 =	vor.u32 v14, v16  }
0x2a: {  	s7 =	sadd.s32 $0x3, s1;
	v16 =	vor.u32 v1, v23;
	v23 =	vbroadcast v20, $0x0;
	v14 =	vld.idx.msk [tilespmem:v18+s6+$0x0], $0xffff  }
0x2b: {  	s17 =	sadd.s32 $0x2, s1;
	v18 =	vmov s1;
	v20 =	vmov s7;
	v17 =	vor.u32 v1, v21  }
0x2c: {  	s7 =	sadd.s32 $0x1, s1;
	v21 =	vmov s17;
	s1 =	sadd.s32 $0x4, s1;
	v22 =	vand.u32 $0x7C, v18;
	v18 =	vor.u32 v1, v23  }
0x2d: {  	_ = 	snop  }
0x2e: {  	v23 =	vmov s7  }
0x2f: {  	v22 =	vbroadcast v22, $0x0;
	v23 =	vand.u32 $0x7D, v23  }
0x30: {  	v21 =	vand.u32 $0x7E, v21;
	v20 =	vand.u32 $0x7F, v20;
	v23 =	vbroadcast v23, $0x0  }
0x31: {  	v15 =	vld.idx.msk [tilespmem:v15+s6+$0x0], $0xffff;
	v11 =	vor.u32 v19, v11;
	v21 =	vbroadcast v21, $0x0;
	v22 =	vor.u32 v1, v22  }
0x32: {  	v11 =	vor.u32 v12, v11;
	v12 =	vld.idx.msk [tilespmem:v17+s6+$0x0], $0xffff;
	v17 =	vbroadcast v20, $0x0;
	v23 =	vor.u32 v1, v23  }
0x33: {  	v16 =	vld.idx.msk [tilespmem:v16+s6+$0x0], $0xffff;
	v11 =	vor.u32 v13, v11;
	v19 =	vor.u32 v1, v21  }
0x34: {  	v11 =	vor.u32 v14, v11;
	v14 =	vor.u32 v1, v17  }
0x35: {  	v13 =	vld.idx.msk [tilespmem:v18+s6+$0x0], $0xffff  }
0x36: {  	v17 =	vld.idx.msk [tilespmem:v22+s6+$0x0], $0xffff  }
0x37: {  	v11 =	vor.u32 v11, v15;
	v15 =	vld.idx.msk [tilespmem:v23+s6+$0x0], $0xffff  }
0x38: {  	v11 =	vor.u32 v16, v11;
	v16 =	vld.idx.msk [tilespmem:v19+s6+$0x0], $0xffff  }
0x39: {  	s1 =	simm.s32 $0x0;
	s25 =	simm.s32 $0x1;
	v11 =	vor.u32 v12, v11;
	v12 =	vld.idx.msk [tilespmem:v14+s6+$0x0], $0xffff  }
0x3a: {  	v11 =	vor.u32 v13, v11;
	v13 =	vmov s1;
	v14 =	vmov s25  }
0x3b: {  	v13 =	vand.u32 $0x7C, v13;
	v14 =	vand.u32 $0x7D, v14;
	v11 =	vor.u32 v11, v17  }
0x3c: {  	s17 =	simm.s32 $0x3;
	s18 =	simm.s32 $0x2;
	v13 =	vbroadcast v13, $0x0;
	v14 =	vbroadcast v14, $0x0;
	v11 =	vor.u32 v15, v11  }
0x3d: {  	v15 =	vmov s17;
	v11 =	vor.u32 v16, v11;
	v16 =	vmov s18  }
0x3e: {  	v11 =	vor.u32 v12, v11;
	v12 =	vand.u32 $0x7F, v15;
	v15 =	vand.u32 $0x7E, v16  }
0x3f: {  	v13 =	vor.u32 v4, v13;
	v15 =	vbroadcast v15, $0x0  }
0x40: {  	s22 =	simm.s32 $0x4;
	v14 =	vor.u32 v4, v14;
	v12 =	vbroadcast v12, $0x0  }
0x41: {  	s7 =	simm.s32 $0x5;
	_ =	swait.ge [sflag:s21], $0x800;
	v16 =	vmov s22;
	v15 =	vor.u32 v4, v15  }
0x42: {  	v18 =	vmov s7;
	[sflag:s21] =	ssyncset.done $0x0;
	s17 =	simm.s32 $0x6;
	v16 =	vand.u32 $0x7C, v16;
	v20 =	vor.u32 v4, v12  }
0x43: {  	s25 =	simm.s32 $0x7;
	[sflag:s21] =	ssyncadd.s32 $0xFFFFF800;
	v19 =	vmov s17;
	v12 =	vand.u32 $0x7D, v18;
	v18 =	vbroadcast v16, $0x0  }
0x44: {  	v17 =	vmov s25;
	v19 =	vand.u32 $0x7E, v19;
	v21 =	vbroadcast v12, $0x0;
	v12 =	vld.idx.msk [tilespmem:v13+s6+$0x0], $0xffff  }
0x45: {  	v22 =	vand.u32 $0x7F, v17;
	s18 =	simm.s32 $0x8;
	v19 =	vbroadcast v19, $0x0;
	v13 =	vld.idx.msk [tilespmem:v14+s6+$0x0], $0xffff;
	v18 =	vor.u32 v4, v18  }
0x46: {  	s25 =	simm.s32 $0xA;
	v24 =	vbroadcast v22, $0x0;
	v22 =	vmov s18;
	v17 =	vor.u32 v4, v21;
	v14 =	vld.idx.msk [tilespmem:v15+s6+$0x0], $0xffff  }
0x47: {  	s22 =	simm.s32 $0xB;
	v23 =	vand.u32 $0x7C, v22;
	v22 =	vmov s25;
	v19 =	vor.u32 v4, v19;
	v15 =	vld.idx.msk [tilespmem:v20+s6+$0x0], $0xffff  }
0x48: {  	s7 =	simm.s32 $0x9;
	s1 =	simm.s32 $0xC;
	v16 =	vimm.s32 $0x0;
	v21 =	vmov s22;
	v20 =	vor.u32 v4, v24  }
.LBB2_4:
0x49: {  	p0 =	sne.s32 s1, $0x7C;
	v24 =	vmov s7;
	v21 =	vand.u32 $0x7F, v21;
	v16 =	vor.u32 v16, v12  }
0x4a: {  	v23 =	vbroadcast v23, $0x0;
	v24 =	vand.u32 $0x7D, v24;
	v12 =	vld.idx.msk [tilespmem:v18+s6+$0x0], $0xffff;
	v16 =	vor.u32 v13, v16  }
.Ltmp1:
0x4b: {  	v22 =	vand.u32 $0x7E, v22;
	v24 =	vbroadcast v24, $0x0;
	v13 =	vld.idx.msk [tilespmem:v17+s6+$0x0], $0xffff;
	v16 =	vor.u32 v14, v16;
	(pc) =	sbr.rel @p0 .LBB2_4-.Ltmp1, $4  }
0x4c: {  	v22 =	vbroadcast v22, $0x0;
	v18 =	vor.u32 v4, v23;
	v14 =	vld.idx.msk [tilespmem:v19+s6+$0x0], $0xffff;
	v16 =	vor.u32 v15, v16  }
0x4d: {  	s7 =	sadd.s32 $0x3, s1;
	v17 =	vor.u32 v4, v24;
	v24 =	vbroadcast v21, $0x0;
	v15 =	vld.idx.msk [tilespmem:v20+s6+$0x0], $0xffff  }
0x4e: {  	s17 =	sadd.s32 $0x2, s1;
	v19 =	vor.u32 v4, v22;
	v20 =	vmov s1;
	v21 =	vmov s7  }
0x4f: {  	v22 =	vmov s17;
	s7 =	sadd.s32 $0x1, s1;
	s1 =	sadd.s32 $0x4, s1;
	v23 =	vand.u32 $0x7C, v20;
	v20 =	vor.u32 v4, v24  }
0x50: {  	v24 =	vmov s7  }
0x51: {  	v23 =	vbroadcast v23, $0x0;
	v24 =	vand.u32 $0x7D, v24  }
0x52: {  	v22 =	vand.u32 $0x7E, v22;
	v24 =	vbroadcast v24, $0x0  }
0x53: {  	v21 =	vand.u32 $0x7F, v21;
	v22 =	vbroadcast v22, $0x0;
	v23 =	vor.u32 v4, v23  }
0x54: {  	v18 =	vld.idx.msk [tilespmem:v18+s6+$0x0], $0xffff;
	v21 =	vbroadcast v21, $0x0;
	v24 =	vor.u32 v4, v24  }
0x55: {  	v12 =	vor.u32 v16, v12;
	v51 =	vld.idx.msk [tilespmem:v17+s6+$0x0], $0xffff;
	v52 =	vor.u32 v4, v22  }
0x56: {  	v53 =	vld.idx.msk [tilespmem:v19+s6+$0x0], $0xffff;
	v12 =	vor.u32 v13, v12;
	v54 =	vor.u32 v4, v21  }
0x57: {  	v55 =	vld.idx.msk [tilespmem:v20+s6+$0x0], $0xffff;
	v12 =	vor.u32 v14, v12  }
0x58: {  	v12 =	vor.u32 v15, v12;
	v56 =	vld.idx.msk [tilespmem:v23+s6+$0x0], $0xffff  }
0x59: {  	v12 =	vor.u32 v12, v18;
	v57 =	vld.idx.msk [tilespmem:v24+s6+$0x0], $0xffff  }
0x5a: {  	v12 =	vor.u32 v51, v12;
	v58 =	vld.idx.msk [tilespmem:v52+s6+$0x0], $0xffff  }
0x5b: {  	v12 =	vor.u32 v53, v12;
	v59 =	vld.idx.msk [tilespmem:v54+s6+$0x0], $0xffff  }
0x5c: {  	v12 =	vor.u32 v55, v12  }
0x5d: {  	v12 =	vor.u32 v12, v56  }
0x5e: {  	v12 =	vor.u32 v57, v12  }
0x5f: {  	v12 =	vor.u32 v58, v12  }
0x60: {  	v12 =	vor.u32 v59, v12  }
0x61: {  	vm5 =	vne.s32 v12, $0x0  }
0x62: {  	vm6 =	vne.s32 v11, $0x0;
	v11 =	vmpcnt.ones.xlane vm5  }
0x63: {  	v60 =	vsel vm6, $0x1, v5;
	v61 =	vmpcnt.ones.xlane vm6  }
0x64: {  	[tilespmem:$0x1000] =	vst v60;
	v62 =	vsel vm5, $0x1, v5;
	v11 =	vsel vm2, $0x0, v11  }
0x65: {  	[tilespmem:$0x1010] =	vst v62;
	v11 =	vsel vm3, v61, v11  }
0x66: {  	s1 =	simm.s32 $0x1000;
	[tilespmem:$0x1020] =	vst v11  }
0x67: {  	[spmem:s10] =	stream.linear.scatter [tilespmem:s1], [sflag:$0x3], $0x30, $0x38;
	[tilespmem:$0x3CB0] =	vst v63  }
0x68: {  	_ =	swait.ge [sflag:s20], $0x30  }
0x69: {  	[sflag:s20] =	ssyncset.done $0x0  }
0x6a: {  	[sflag:s20] =	ssyncadd.s32 $0xFFFFFFD0  }
0x6b: {  	[bflag:$0x0] =	sbarrier.arrive $0xFFFF  }
0x6c: {  	s18 =	rddreg [dreg:$0x7]  }
0x6d: {  	[tilespmem:s23], [sflag:$0x3] =	stream.linear.gather [spmem:s18], $0x300, $0x38;
	[tilespmem:$0x3CB0] =	vst v63  }
0x6e: {  	_ =	swait.ge [sflag:s20], $0x300  }
0x6f: {  	[sflag:s20] =	ssyncset.done $0x0  }
0x70: {  	[sflag:s20] =	ssyncadd.s32 $0xFFFFFD00  }
0x71: {  	[tilespmem:$0x13B0] =	vst v5  }
0x72: {  	v11 =	vld.idx.msk [tilespmem:v6+s23+$0x0], $0xffff  }
0x73: {  	v63 =	vld.idx.msk [tilespmem:v7+s23+$0x0], $0xffff;
	_ =	sdelay $0x3  }
0x74: {  	v11 =	vnsel vm1, $0x0, v11  }
0x75: {  	(xrf0) =	vadd.scan.msk.s32 $0xffff, v11;
	v11 =	vnsel vm0, $0x0, v63  }
0x76: {  	(xrf0) =	vadd.scan.msk.s32 $0xffff, v11;
	_ =	sdelay $0x4  }
0x77: {  	v11, _, _ =	vpop (xrf0)  }
0x78: {  	(v2sf) =	vpush v11, $0xF;
	v11, _, _ =	vpop (xrf0)  }
0x79: {  	(v2sf) =	vpush v11, $0xF;
	_ =	sdelay $0xd  }
0x7a: {  	s22 =	spop (v2sf)  }
0x7b: {  	s25 =	spop (v2sf)  }
0x7c: {  	s1 =	sadd.s32 s22, s25  }
0x7d: {  	p0 =	sge.s32 s1, s11  }
.Ltmp2:
0x7e: {  	_ = 	snop;
	(pc) =	sbr.rel @p0 .LBB2_7-.Ltmp2, $2  }
0x7f: {  	_ =	sdelay $0x2  }
0x80: {  	s17 =	smov.u32 s0;
	s7 =	smov.u32 s4  }
.LBB2_6:
0x81: {  	s18 =	sshrl.u32 s7, $0x1  }
0x82: {  	s22 =	sand.u32 $0x1, s7;
	s18 =	smul.u32 $0x30, s18  }
0x83: {  	s25 =	sshll.u32 s22, $0x4  }
0x84: {  	s25 =	sadd.s32 s25, s18  }
0x85: {  	v11 =	vor.u32 s25, v0;
	_ =	sdelay $0x4  }
0x86: {  	v11 =	vld.idx.msk [tilespmem:v11+s23+$0x0], $0xffff;
	_ =	sdelay $0x4  }
0x87: {  	(xrf0) =	vadd.scan.msk.s32 $0xffff, v11;
	_ =	sdelay $0x2  }
0x88: {  	v12 =	vmov s1  }
0x89: {  	v12 =	vadd.s32 $0xFFFFFFFF, v12  }
0x8a: {  	v12 =	vbroadcast v12, $0x0  }
0x8b: {  	v13, _, _ =	vpop (xrf0)  }
0x8c: {  	v12 =	vadd.s32 v13, v12  }
0x8d: {  	s18 =	sor.u32 s22, s18;
	vm5 =	vne.s32 v11, $0x0;
	vm6 =	vge.s32 v12, v2  }
0x8e: {  	s18 =	sadd.s32 $0x20, s18;
	vm5 =	vmand vm5, vm6;
	vm6 =	vlt.s32 v12, v3  }
0x8f: {  	v11 =	vmov s18;
	vm5 =	vmand vm6, vm5  }
0x90: {  	v11 =	vbroadcast v11, $0x0;
	v12 =	vsub.s32 v12, v2;
	_ =	sdelay $0x3  }
0x91: {  	v63 =	vor.u32 s17, v0  }
0x92: {  	[tilespmem:v12+s24+$0x0] =	vst.idx.msk vm5, v63  }
0x93: {  	v11 =	vld.idx.msk [tilespmem:v11+s23+$0x0], $0xffff;
	_ =	sdelay $0x4  }
0x94: {  	(v2sf) =	vpush v11, $0x0;
	_ =	sdelay $0xe  }
0x95: {  	s25 =	spop (v2sf)  }
0x96: {  	p0 =	sgt.u32 s7, $0x1E;
	s1 =	sadd.s32 s1, s25  }
0x97: {  	p1 =	slt.s32 @!p0 s1, s11  }
0x98: {  	p0 =	por p0, !p1  }
.Ltmp3:
0x99: {  	_ = 	snop;
	(pc) =	sbr.rel @!p0 .LBB2_6-.Ltmp3, $2  }
0x9a: {  	_ =	sdelay $0x2  }
0x9b: {  	s7 =	sadd.s32 $0x1, s7;
	s17 =	sadd.s32 $0x10, s17  }
.LBB2_7:
0x9c: {  	v11 =	vld [tilespmem:$0x13B0];
	_ =	sdelay $0x4  }
0x9d: {  	v11 =	vshrl.u32 v11, $0x5  }
0x9e: {  	s1 =	rddreg [dreg:$0x0];
	s7 =	simm.s32 $0x10;
	[tilespmem:$0x1430] =	vst v11  }
0x9f: {  	[tilespmem:s26], [sflag:$0x1] =	stream.indirect.gather [hbm4b:s1+s7], $0x80, s24, s7, $0xb8;
	[tilespmem:$0x3CB0] =	vst v63  }
0xa0: {  	v11 =	vld [tilespmem:$0x13B0];
	_ =	sdelay $0x4  }
0xa1: {  	v12 =	vshll.u32 v11, $0x1  }
0xa2: {  	v11 =	vand.u32 $0x7, v11;
	v12 =	vand.u32 $0xFFFFFFF0, v12  }
0xa3: {  	v11 =	vor.u32 v11, v12  }
0xa4: {  	v12 =	vperm.xlane v11, v8;
	_ =	sdelay $0x1  }
0xa5: {  	v11 =	vperm.xlane v11, v10;
	v12 =	vadd.s32 v9, v12  }
0xa6: {  	s22 =	simm.s32 $0x0  }
0xa7: {  	v13 =	vor.u32 s22, v0;
	v11 =	vadd.s32 v9, v11  }
0xa8: {  	v13 =	vshrl.u32 v13, $0x3;
	_ =	sdelay $0x1  }
0xa9: {  	[tilespmem:s28], [sflag:$0x1] =	stream.indirect_vreg.gather [hbm4b:s2+s22], $0x80, v12, vm4, $0xb8;
	[tilespmem:$0x3CB0] =	vst v63  }
0xaa: {  	_ = 	snop  }
0xab: {  	[tilespmem:s29], [sflag:$0x1] =	stream.indirect_vreg.gather [hbm4b:s2+s22], $0x80, v11, vm4, $0xb8;
	[tilespmem:$0x3CB0] =	vst v63  }
0xac: {  	v11 =	vld.idx.msk [tilespmem:v13+s30+$0x0], $0xffff;
	_ =	sdelay $0x4  }
0xad: {  	v11 =	vshll.u32 v11, $0x7  }
0xae: {  	v11 =	vor.u32 v8, v11;
	_ =	sdelay $0x3  }
0xaf: {  	s25 =	simm.s32 $0x10;
	v12 =	vshll.u32 v13, $0x7  }
0xb0: {  	s1 =	simm.s32 $0x20;
	v12 =	vor.u32 v8, v12;
	v13 =	vor.u32 s25, v0;
	v11 =	vld.idx.msk [tilespmem:v11+s19+$0x0], $0xffff  }
.LBB2_8:
0xb1: {  	p0 =	sne.s32 s1, $0x70;
	v13 =	vshrl.u32 v13, $0x3;
	_ =	sdelay $0x3  }
0xb2: {  	[tilespmem:v12+s31+$0x0] =	vst.idx.msk $0xffff, v11  }
0xb3: {  	v11 =	vld.idx.msk [tilespmem:v13+s30+$0x0], $0xffff;
	_ =	sdelay $0x5  }
0xb4: {  	v11 =	vshll.u32 v11, $0x7  }
0xb5: {  	v11 =	vor.u32 v8, v11;
	_ =	sdelay $0x1  }
.Ltmp4:
0xb6: {  	(pc) =	sbr.rel @p0 .LBB2_8-.Ltmp4, $3  }
0xb7: {  	_ =	sdelay $0x1  }
0xb8: {  	v12 =	vshll.u32 v13, $0x7;
	v11 =	vld.idx.msk [tilespmem:v11+s19+$0x0], $0xffff  }
0xb9: {  	v13 =	vor.u32 s1, v0;
	s1 =	sadd.s32 $0x10, s1;
	v12 =	vor.u32 v8, v12  }
0xba: {  	v13 =	vshrl.u32 v13, $0x3;
	_ =	sdelay $0x3  }
0xbb: {  	[tilespmem:v12+s31+$0x0] =	vst.idx.msk $0xffff, v11  }
0xbc: {  	v11 =	vld.idx.msk [tilespmem:v13+s30+$0x0], $0xffff;
	_ =	sdelay $0x4  }
0xbd: {  	v11 =	vshll.u32 v11, $0x7  }
0xbe: {  	v11 =	vor.u32 v8, v11;
	_ =	sdelay $0x3  }
0xbf: {  	v63 =	vshll.u32 v13, $0x7  }
0xc0: {  	v12 =	vor.u32 v8, v63;
	v11 =	vld.idx.msk [tilespmem:v11+s19+$0x0], $0xffff;
	_ =	sdelay $0x4  }
0xc1: {  	[tilespmem:v12+s31+$0x0] =	vst.idx.msk $0xffff, v11  }
0xc2: {  	[hbm4b:s12+s6] =	stream.linear.scatter [tilespmem:s31], [sflag:$0x2], $0x800, $0x38;
	[tilespmem:$0x3CB0] =	vst v63  }
0xc3: {  	_ = 	snop  }
0xc4: {  	[hbm4b:s13+s6] =	stream.linear.scatter [tilespmem:s30], [sflag:$0x2], $0x10, $0x38;
	[tilespmem:$0x3CB0] =	vst v63  }
0xc5: {  	_ =	swait.ge [sflag:s21], $0x800  }
0xc6: {  	[sflag:s21] =	ssyncset.done $0x0  }
0xc7: {  	[sflag:s21] =	ssyncadd.s32 $0xFFFFF800  }
0xc8: {  	[hbm4b:s14+s6] =	stream.linear.scatter [tilespmem:s26], [sflag:$0x2], $0x800, $0x38;
	[tilespmem:$0x3CB0] =	vst v63  }
0xc9: {  	_ =	swait.ge [sflag:s21], $0x1000  }
0xca: {  	[sflag:s21] =	ssyncset.done $0x0  }
0xcb: {  	[sflag:s21] =	ssyncadd.s32 $0xFFFFF000  }
0xcc: {  	[hbm4b:s15+s6] =	stream.linear.scatter [tilespmem:s28], [sflag:$0x2], $0x1000, $0x38;
	[tilespmem:$0x3CB0] =	vst v63  }
0xcd: {  	_ =	swait.ge [sflag:s3], $0x800  }
0xce: {  	[sflag:s3] =	ssyncset.done $0x0  }
0xcf: {  	[sflag:s3] =	ssyncadd.s32 $0xFFFFF800  }
0xd0: {  	_ =	swait.ge [sflag:s3], $0x1000  }
0xd1: {  	[sflag:s3] =	ssyncset.done $0x0  }
0xd2: {  	s5 =	sadd.s32 $0x1, s5;
	[sflag:s3] =	ssyncadd.s32 $0xFFFFF000  }
0xd3: {  	p0 =	sne.s32 s5, s16;
	_ =	swait.ge [sflag:s3], $0x800  }
.Ltmp5:
0xd4: {  	[sflag:s3] =	ssyncset.done $0x0;
	(pc) =	sbr.rel @p0 .LBB2_1-.Ltmp5, $4  }
0xd5: {  	[sflag:s3] =	ssyncadd.s32 $0xFFFFF800  }
0xd6: {  	_ =	swait.ge [sflag:s3], $0x10  }
0xd7: {  	[sflag:s3] =	ssyncset.done $0x0  }
0xd8: {  	[sflag:s3] =	ssyncadd.s32 $0xFFFFFFF0  }
0xd9: {  	_ =	sfence.sel $0x180000  }
0xda: {  	[bflag:$0x0] =	sbarrier.arrive $0xFFFF  }
0xdb: {  	_ =	strace $0x90000047  }
0xdc: {  	s0 =	stileid.u32;
	[bflag:$0x2] =	sbarrier.arrive $0xFFFF  }
0xdd: {  	p0 =	sne.s32 s0, $0x0;
	s0 =	rddreg [dreg:$0x8]  }
0xde: {  	s0 =	sadd.s32 @!p0 $0x100000, s0  }
0xdf: {  	[sflag:s0] =	ssyncadd.tile.s32 @!p0 $0x1;
	_ =	shalt  }
.Lfunc_end2:
_tile_overlayer_lowered:
.L_overlay_start_2:
0xe0: {  	(tag) =	ssettag $0x2  }
0xe1: {  	s0 =	rddreg [dreg:$0x0];
	s2 =	stileid.u32  }
0xe2: {  	s1 =	rddreg [dreg:$0x1];
	p0 =	sne.s32 s2, $0x0  }
0xe3: {  	s3 =	rddreg [dreg:$0x2];
	[bflag:$0x3] =	sbarrier.arrive $0xFFFF;
	s2 =	simm.s32 @!p0 $0x1C03  }
0xe4: {  	[timem:s3], [sflag:s2] =	dma.local @!p0 [hbm:s0], s1  }
0xe5: {  	s0 =	simm.s32 @!p0 $0x3  }
0xe6: {  	_ =	swait.ge @!p0 [sflag:s0], s1  }
0xe7: {  	s1 =	ssub.s32 @!p0 $0x0, s1;
	[sflag:s0] =	ssyncset.done @!p0 $0x0  }
0xe8: {  	[sflag:s0] =	ssyncadd.s32 @!p0 s1  }
0xe9: {  	[bflag:$0x3] =	sbarrier.arrive $0xFFFF  }
0xea: {  	_ =	shalt  }

</sc_bundles>
